<compile_context>
chip_gen: v7x
topology: tpu7x:2x2x1
jax: 0.10.2.dev20260603
libtpu: 0.0.44.dev20260713+nightly
codegen_flags: <defaults>
</compile_context>

<pallas_src>
import functools

import jax
import jax.numpy as jnp
from jax import lax
from jax.experimental import pallas as pl
from jax.experimental.pallas import tpu as pltpu
from jax.experimental.pallas import tpu_sc as plsc

B = 16384
NCOL = 26
VOCAB = 100000
EDIM = 16
DIN = 200 + 1 + NCOL * EDIM

HCOL = NCOL // 2

NC = 2
NS = 16
NW = NC * NS
BT_H = B * HCOL
BPW_H = BT_H // NW
CHUNK = 1664
NCHUNK = BPW_H // CHUNK

VBLK = 100352
PR = VBLK // 8


def _xpose_body(t_ref, out_ref):
    x = t_ref[0]
    lv = lax.broadcasted_iota(jnp.int32, (EDIM, VBLK), 1)
    x = jnp.where(lv < VOCAB, x, 0.0)
    xs = jnp.concatenate([x[:, s * PR:(s + 1) * PR] for s in range(8)], axis=0)
    out_ref[...] = jnp.transpose(xs)[None]


def _make_tc_transpose(c0):
    return pl.pallas_call(
        _xpose_body,
        grid=(HCOL,),
        in_specs=[pl.BlockSpec((1, EDIM, VBLK), lambda c: (c0 + c, 0, 0))],
        out_specs=pl.BlockSpec((1, PR, 128), lambda c: (c, 0, 0)),
        out_shape=jax.ShapeDtypeStruct((HCOL, PR, 128), jnp.float32),
    )


BW = B // NW


def _sc_gather(table_flat, comp_T, c0):
    mesh = plsc.VectorSubcoreMesh(core_axis_name="c", subcore_axis_name="s")

    @functools.partial(
        pl.kernel,
        mesh=mesh,
        out_type=jax.ShapeDtypeStruct((BT_H, EDIM), jnp.float32),
        scratch_types=[
            pltpu.VMEM((HCOL, BW), jnp.int32),
            pltpu.VMEM((BPW_H,), jnp.int32),
            pltpu.VMEM((CHUNK, EDIM), jnp.float32),
            pltpu.VMEM((CHUNK, EDIM), jnp.float32),
            pltpu.SemaphoreType.DMA,
            pltpu.SemaphoreType.DMA,
            pltpu.SemaphoreType.DMA,
        ],
        compiler_params=pltpu.CompilerParams(use_tc_tiling_on_sc=False,
                                             needs_layout_passes=False),
    )
    def gather_k(table_hbm, ct_hbm, out_hbm, ctv, ilist, ra, rb, gs, wsa, wsb):
        wid = lax.axis_index("s") * NC + lax.axis_index("c")
        base = wid * BPW_H
        pltpu.sync_copy(
            ct_hbm.at[pl.ds(c0, HCOL), pl.ds(wid * BW, BW)], ctv)

        lane13 = lax.iota(jnp.int32, 16) * HCOL

        for c in range(HCOL):
            @pl.loop(0, BW // 16)
            def build(g, c=c):
                v = ctv[c, pl.ds(g * 16, 16)]
                plsc.store_scatter(ilist, [g * (16 * HCOL) + c + lane13], v)

        rows = [ra, rb]
        wsem = [wsa, wsb]
        wb = [None, None]
        for i in range(NCHUNK):
            p = i & 1
            if wb[p] is not None:
                wb[p].wait()
            g = pltpu.async_copy(
                table_hbm.at[ilist.at[pl.ds(i * CHUNK, CHUNK)]], rows[p], gs)
            g.wait()
            wb[p] = pltpu.async_copy(
                rows[p], out_hbm.at[pl.ds(base + i * CHUNK, CHUNK)], wsem[p])
        wb[0].wait()
        wb[1].wait()

    return gather_k(table_flat, comp_T)


BS = 2048


def _mlp_body(metaT_ref, nlaT_ref, e1_ref, e2_ref, w1T_ref, b1_ref, w2T_ref,
              b2_ref, outT_ref, predT_ref):
    m = metaT_ref[...]
    n = nlaT_ref[...]
    e1 = e1_ref[...]
    e2 = e2_ref[...]
    cat = jnp.concatenate([m, n, e1, e2], axis=0)
    outT_ref[...] = cat
    h = jnp.dot(w1T_ref[...], cat, preferred_element_type=jnp.float32)
    h = jnp.maximum(h + b1_ref[...], 0.0)
    z = jnp.dot(w2T_ref[...], h, preferred_element_type=jnp.float32) + b2_ref[...]
    predT_ref[...] = 1.0 / (1.0 + jnp.exp(-z))


def _tc_mlp(metaT, nlaT, embT1, embT2, w1T, b1, w2T, b2):
    grid = (B // BS,)
    blk = lambda r: pl.BlockSpec((r, BS), lambda i: (0, i))
    full = lambda r, c: pl.BlockSpec((r, c), lambda i: (0, 0))
    return pl.pallas_call(
        _mlp_body,
        grid=grid,
        in_specs=[
            blk(200), blk(1), blk(HCOL * EDIM), blk(HCOL * EDIM),
            full(20, DIN), full(20, 1), full(1, 20), full(1, 1),
        ],
        out_specs=[blk(DIN), blk(1)],
        out_shape=[
            jax.ShapeDtypeStruct((DIN, B), jnp.float32),
            jax.ShapeDtypeStruct((1, B), jnp.float32),
        ],
    )(metaT, nlaT, embT1, embT2, w1T, b1, w2T, b2)


def kernel(meta_features, nla, components, tables, W1, b1, W2, b2):
    tT = tables.transpose(0, 2, 1)
    comp_T = components.astype(jnp.int32).T
    colv = ((jnp.arange(NCOL, dtype=jnp.int32) % HCOL) * VBLK)[:, None]
    packed_T = (comp_T % PR) * 8 + comp_T // PR + colv

    t1 = _make_tc_transpose(0)(tT).reshape(HCOL * VBLK, EDIM)
    emb1 = _sc_gather(t1, packed_T, 0)

    t2 = _make_tc_transpose(HCOL)(tT).reshape(HCOL * VBLK, EDIM)
    emb2 = _sc_gather(t2, packed_T, HCOL)

    embT1 = emb1.reshape(B, HCOL * EDIM).T
    embT2 = emb2.reshape(B, HCOL * EDIM).T

    outT, predT = _tc_mlp(meta_features.T, nla.T, embT1, embT2, W1.T,
                          b1.reshape(20, 1), W2.T, b2.reshape(1, 1))
    return (outT.T, predT.T)

# --- scband reference (transcript-rebuilt; emitter-appended) ---
"""Pipeline reference for scband-meta-predictor-1090921693493 (READ-ONLY COPY).

The authoritative reference and input builder live on the scoring server;
editing this copy changes nothing except your own understanding.
"""

import jax, jax.numpy as jnp
import numpy as np

B = 16384
NCOL = 26
VOCAB = 100000
EDIM = 16
DIN = 200 + 1 + NCOL * EDIM  # 617


def setup_inputs(seed: int = 0) -> dict:
    key = jax.random.key(seed)
    ks = jax.random.split(key, 8)
    meta_features = jax.random.normal(ks[0], (B, 200), dtype=jnp.float32)
    nla = jax.random.normal(ks[1], (B, 1), dtype=jnp.float32)
    components = jax.random.randint(ks[2], (B, NCOL), 0, VOCAB)
    tables = jax.random.normal(ks[3], (NCOL, VOCAB, EDIM), dtype=jnp.float32) * 0.05
    W1 = jax.random.normal(ks[4], (DIN, 20), dtype=jnp.float32) * 0.05
    b1 = jnp.zeros((20,), dtype=jnp.float32)
    W2 = jax.random.normal(ks[5], (20, 1), dtype=jnp.float32) * 0.05
    b2 = jnp.zeros((1,), dtype=jnp.float32)
    return {"meta_features": meta_features, "nla": nla, "components": components,
            "tables": tables, "W1": W1, "b1": b1, "W2": W2, "b2": b2}


def reference(meta_features, nla, components, tables, W1, b1, W2, b2):
    # per-column embedding lookup: tables[i][components[:, i]] for each column i
    col_idx = jnp.arange(NCOL)[None, :]  # [1, NCOL]
    emb = tables[col_idx, components]    # [B, NCOL, EDIM]
    emb = emb.reshape(B, NCOL * EDIM)
    embedding = jnp.concatenate([meta_features, nla, emb], axis=1)  # [B, DIN]
    h = jax.nn.relu(embedding @ W1 + b1)
    pred = jax.nn.sigmoid(h @ W2 + b2)
    return (embedding, pred)

if __name__ == "__main__":
    import jax
    _d = setup_inputs()
    print(jax.jit(kernel)(*tuple(_d.values())))

</pallas_src>

<mosaic_0001>
#map = affine_map<(d0, d1) -> (0, 0)>
module attributes {stable_mosaic.version = 14 : i64} {
  func.func @gather_k(%arg0: i32, %arg1: i32, %arg2: memref<1304576x16xf32, #tpu.memory_space<hbm>>, %arg3: memref<26x16384xi32, #tpu.memory_space<hbm>>, %arg4: memref<212992x16xf32, #tpu.memory_space<hbm>>, %arg5: memref<13x512xi32, #tpu.memory_space<vmem>>, %arg6: memref<6656xi32, #tpu.memory_space<vmem>>, %arg7: memref<1664x16xf32, #tpu.memory_space<vmem>>, %arg8: memref<1664x16xf32, #tpu.memory_space<vmem>>, %arg9: memref<!tpu.dma_semaphore, #tpu.memory_space<semaphore_mem>>, %arg10: memref<!tpu.dma_semaphore, #tpu.memory_space<semaphore_mem>>, %arg11: memref<!tpu.dma_semaphore, #tpu.memory_space<semaphore_mem>>) attributes {dimension_semantics = [#tpu.dimension_semantics<core_parallel>, #tpu.dimension_semantics<subcore_parallel>], iteration_bounds = array<i64: 2, 16>, scalar_prefetch = 0 : i64, scratch_operands = 7 : i64, tpu.core_type = #tpu.core_type<sc_vector_subcore>, window_params = [{transform_indices = #map}, {transform_indices = #map}, {transform_indices = #map}]} {
    %mul3A = arith.constant 2 : i32
    %mul3A_0 = arith.muli %arg1, %mul3A : i32
    %add3A = arith.addi %mul3A_0, %arg0 : i32
    %mul3A_1 = arith.constant 6656 : i32
    %mul3A_2 = arith.muli %add3A, %mul3A_1 : i32
    %mul3A_3 = arith.constant 512 : i32
    %mul3A_4 = arith.muli %add3A, %mul3A_3 : i32
    "tpu.region"() ({
      %run_scoped3A = tpu.sem_alloc : memref<!tpu.dma_semaphore, #tpu.memory_space<semaphore_mem>>
      %dma_start3A_150 = arith.constant 13 : i32
      %dma_start3A_151 = tpu.memref_slice %arg3[%dma_start3A_150, %mul3A_4] : memref<26x16384xi32, #tpu.memory_space<hbm>> -> memref<13x512xi32, #tpu.memory_space<hbm>>
      %dma_start3A_152 = arith.constant 13 : i32
      %dma_start3A_153 = tpu.memref_slice %arg3[%dma_start3A_152, %mul3A_4] : memref<26x16384xi32, #tpu.memory_space<hbm>> -> memref<13x512xi32, #tpu.memory_space<hbm>>
      tpu.enqueue_dma source(%dma_start3A_153 : memref<13x512xi32, #tpu.memory_space<hbm>>) target(%arg5 : memref<13x512xi32, #tpu.memory_space<vmem>>) target_semaphore(%run_scoped3A : memref<!tpu.dma_semaphore, #tpu.memory_space<semaphore_mem>>)
      %dma_wait3A_154 = arith.constant 13 : i32
      %dma_wait3A_155 = tpu.memref_slice %arg3[%dma_wait3A_154, %mul3A_4] : memref<26x16384xi32, #tpu.memory_space<hbm>> -> memref<13x512xi32, #tpu.memory_space<hbm>>
      %dma_wait3A_156 = arith.constant 13 : i32
      %dma_wait3A_157 = tpu.memref_slice %arg3[%dma_wait3A_156, %mul3A_4] : memref<26x16384xi32, #tpu.memory_space<hbm>> -> memref<13x512xi32, #tpu.memory_space<hbm>>
      tpu.wait_dma2 semaphore(%run_scoped3A : memref<!tpu.dma_semaphore, #tpu.memory_space<semaphore_mem>>) src(%dma_wait3A_157 : memref<13x512xi32, #tpu.memory_space<hbm>>) dst(%arg5 : memref<13x512xi32, #tpu.memory_space<vmem>>)
      tpu.yield
    }) : () -> ()
    %iota3A = tpu.iota {dimensions = array<i32: 0>} : vector<16xi32>
    %mul3A_5 = arith.constant 13 : i32
    %mul3A_6 = vector.broadcast %mul3A_5 : i32 to vector<16xi32>
    %mul3A_7 = arith.muli %iota3A, %mul3A_6 : vector<16xi32>
    %scan3A = arith.constant 0 : i32
    %scan3A_8 = arith.constant 32 : i32
    %scan3A_9 = arith.addi %scan3A, %scan3A_8 : i32
    %scan3A_10 = arith.constant 1 : i32
    scf.for %scan3A_150 = %scan3A to %scan3A_9 step %scan3A_10  : i32 {
      %mul3A_151 = arith.constant 1 : i32
      %mul3A_152 = arith.muli %scan3A_150, %mul3A_151 : i32
      %add3A_153 = arith.constant 0 : i32
      %add3A_154 = arith.addi %add3A_153, %mul3A_152 : i32
      %mul3A_155 = arith.constant 16 : i32
      %mul3A_156 = arith.muli %add3A_154, %mul3A_155 : i32
      %get3A = arith.constant 0 : i32
      %get3A_157 = arith.index_cast %get3A : i32 to index
      %get3A_158 = arith.index_cast %mul3A_156 : i32 to index
      %get3A_159 = tpu.vector_load %arg5[%get3A_157, %get3A_158] {strides = array<i32>} : memref<13x512xi32, #tpu.memory_space<vmem>>, vector<16xi32>,
      %mul3A_160 = arith.constant 208 : i32
      %mul3A_161 = arith.muli %add3A_154, %mul3A_160 : i32
      %add3A_162 = arith.constant 0 : i32
      %add3A_163 = arith.addi %mul3A_161, %add3A_162 : i32
      %add3A_164 = vector.broadcast %add3A_163 : i32 to vector<16xi32>
      %add3A_165 = arith.addi %add3A_164, %mul3A_7 : vector<16xi32>
      tpu.vector_store_idx %arg6[%add3A_165], %get3A_159 : memref<6656xi32, #tpu.memory_space<vmem>>[vector<16xi32>], vector<16xi32>,
    }
    %scan3A_11 = arith.constant 32 : i32
    %scan3A_12 = arith.constant 0 : i32
    %scan3A_13 = arith.constant 32 : i32
    %scan3A_14 = arith.addi %scan3A_12, %scan3A_13 : i32
    %scan3A_15 = arith.constant 1 : i32
    scf.for %scan3A_150 = %scan3A_12 to %scan3A_14 step %scan3A_15  : i32 {
      %mul3A_151 = arith.constant 1 : i32
      %mul3A_152 = arith.muli %scan3A_150, %mul3A_151 : i32
      %add3A_153 = arith.constant 0 : i32
      %add3A_154 = arith.addi %add3A_153, %mul3A_152 : i32
      %mul3A_155 = arith.constant 16 : i32
      %mul3A_156 = arith.muli %add3A_154, %mul3A_155 : i32
      %get3A = arith.constant 1 : i32
      %get3A_157 = arith.index_cast %get3A : i32 to index
      %get3A_158 = arith.index_cast %mul3A_156 : i32 to index
      %get3A_159 = tpu.vector_load %arg5[%get3A_157, %get3A_158] {strides = array<i32>} : memref<13x512xi32, #tpu.memory_space<vmem>>, vector<16xi32>,
      %mul3A_160 = arith.constant 208 : i32
      %mul3A_161 = arith.muli %add3A_154, %mul3A_160 : i32
      %add3A_162 = arith.constant 1 : i32
      %add3A_163 = arith.addi %mul3A_161, %add3A_162 : i32
      %add3A_164 = vector.broadcast %add3A_163 : i32 to vector<16xi32>
      %add3A_165 = arith.addi %add3A_164, %mul3A_7 : vector<16xi32>
      tpu.vector_store_idx %arg6[%add3A_165], %get3A_159 : memref<6656xi32, #tpu.memory_space<vmem>>[vector<16xi32>], vector<16xi32>,
    }
    %scan3A_16 = arith.constant 32 : i32
    %scan3A_17 = arith.constant 0 : i32
    %scan3A_18 = arith.constant 32 : i32
    %scan3A_19 = arith.addi %scan3A_17, %scan3A_18 : i32
    %scan3A_20 = arith.constant 1 : i32
    scf.for %scan3A_150 = %scan3A_17 to %scan3A_19 step %scan3A_20  : i32 {
      %mul3A_151 = arith.constant 1 : i32
      %mul3A_152 = arith.muli %scan3A_150, %mul3A_151 : i32
      %add3A_153 = arith.constant 0 : i32
      %add3A_154 = arith.addi %add3A_153, %mul3A_152 : i32
      %mul3A_155 = arith.constant 16 : i32
      %mul3A_156 = arith.muli %add3A_154, %mul3A_155 : i32
      %get3A = arith.constant 2 : i32
      %get3A_157 = arith.index_cast %get3A : i32 to index
      %get3A_158 = arith.index_cast %mul3A_156 : i32 to index
      %get3A_159 = tpu.vector_load %arg5[%get3A_157, %get3A_158] {strides = array<i32>} : memref<13x512xi32, #tpu.memory_space<vmem>>, vector<16xi32>,
      %mul3A_160 = arith.constant 208 : i32
      %mul3A_161 = arith.muli %add3A_154, %mul3A_160 : i32
      %add3A_162 = arith.constant 2 : i32
      %add3A_163 = arith.addi %mul3A_161, %add3A_162 : i32
      %add3A_164 = vector.broadcast %add3A_163 : i32 to vector<16xi32>
      %add3A_165 = arith.addi %add3A_164, %mul3A_7 : vector<16xi32>
      tpu.vector_store_idx %arg6[%add3A_165], %get3A_159 : memref<6656xi32, #tpu.memory_space<vmem>>[vector<16xi32>], vector<16xi32>,
    }
    %scan3A_21 = arith.constant 32 : i32
    %scan3A_22 = arith.constant 0 : i32
    %scan3A_23 = arith.constant 32 : i32
    %scan3A_24 = arith.addi %scan3A_22, %scan3A_23 : i32
    %scan3A_25 = arith.constant 1 : i32
    scf.for %scan3A_150 = %scan3A_22 to %scan3A_24 step %scan3A_25  : i32 {
      %mul3A_151 = arith.constant 1 : i32
      %mul3A_152 = arith.muli %scan3A_150, %mul3A_151 : i32
      %add3A_153 = arith.constant 0 : i32
      %add3A_154 = arith.addi %add3A_153, %mul3A_152 : i32
      %mul3A_155 = arith.constant 16 : i32
      %mul3A_156 = arith.muli %add3A_154, %mul3A_155 : i32
      %get3A = arith.constant 3 : i32
      %get3A_157 = arith.index_cast %get3A : i32 to index
      %get3A_158 = arith.index_cast %mul3A_156 : i32 to index
      %get3A_159 = tpu.vector_load %arg5[%get3A_157, %get3A_158] {strides = array<i32>} : memref<13x512xi32, #tpu.memory_space<vmem>>, vector<16xi32>,
      %mul3A_160 = arith.constant 208 : i32
      %mul3A_161 = arith.muli %add3A_154, %mul3A_160 : i32
      %add3A_162 = arith.constant 3 : i32
      %add3A_163 = arith.addi %mul3A_161, %add3A_162 : i32
      %add3A_164 = vector.broadcast %add3A_163 : i32 to vector<16xi32>
      %add3A_165 = arith.addi %add3A_164, %mul3A_7 : vector<16xi32>
      tpu.vector_store_idx %arg6[%add3A_165], %get3A_159 : memref<6656xi32, #tpu.memory_space<vmem>>[vector<16xi32>], vector<16xi32>,
    }
    %scan3A_26 = arith.constant 32 : i32
    %scan3A_27 = arith.constant 0 : i32
    %scan3A_28 = arith.constant 32 : i32
    %scan3A_29 = arith.addi %scan3A_27, %scan3A_28 : i32
    %scan3A_30 = arith.constant 1 : i32
    scf.for %scan3A_150 = %scan3A_27 to %scan3A_29 step %scan3A_30  : i32 {
      %mul3A_151 = arith.constant 1 : i32
      %mul3A_152 = arith.muli %scan3A_150, %mul3A_151 : i32
      %add3A_153 = arith.constant 0 : i32
      %add3A_154 = arith.addi %add3A_153, %mul3A_152 : i32
      %mul3A_155 = arith.constant 16 : i32
      %mul3A_156 = arith.muli %add3A_154, %mul3A_155 : i32
      %get3A = arith.constant 4 : i32
      %get3A_157 = arith.index_cast %get3A : i32 to index
      %get3A_158 = arith.index_cast %mul3A_156 : i32 to index
      %get3A_159 = tpu.vector_load %arg5[%get3A_157, %get3A_158] {strides = array<i32>} : memref<13x512xi32, #tpu.memory_space<vmem>>, vector<16xi32>,
      %mul3A_160 = arith.constant 208 : i32
      %mul3A_161 = arith.muli %add3A_154, %mul3A_160 : i32
      %add3A_162 = arith.constant 4 : i32
      %add3A_163 = arith.addi %mul3A_161, %add3A_162 : i32
      %add3A_164 = vector.broadcast %add3A_163 : i32 to vector<16xi32>
      %add3A_165 = arith.addi %add3A_164, %mul3A_7 : vector<16xi32>
      tpu.vector_store_idx %arg6[%add3A_165], %get3A_159 : memref<6656xi32, #tpu.memory_space<vmem>>[vector<16xi32>], vector<16xi32>,
    }
    %scan3A_31 = arith.constant 32 : i32
    %scan3A_32 = arith.constant 0 : i32
    %scan3A_33 = arith.constant 32 : i32
    %scan3A_34 = arith.addi %scan3A_32, %scan3A_33 : i32
    %scan3A_35 = arith.constant 1 : i32
    scf.for %scan3A_150 = %scan3A_32 to %scan3A_34 step %scan3A_35  : i32 {
      %mul3A_151 = arith.constant 1 : i32
      %mul3A_152 = arith.muli %scan3A_150, %mul3A_151 : i32
      %add3A_153 = arith.constant 0 : i32
      %add3A_154 = arith.addi %add3A_153, %mul3A_152 : i32
      %mul3A_155 = arith.constant 16 : i32
      %mul3A_156 = arith.muli %add3A_154, %mul3A_155 : i32
      %get3A = arith.constant 5 : i32
      %get3A_157 = arith.index_cast %get3A : i32 to index
      %get3A_158 = arith.index_cast %mul3A_156 : i32 to index
      %get3A_159 = tpu.vector_load %arg5[%get3A_157, %get3A_158] {strides = array<i32>} : memref<13x512xi32, #tpu.memory_space<vmem>>, vector<16xi32>,
      %mul3A_160 = arith.constant 208 : i32
      %mul3A_161 = arith.muli %add3A_154, %mul3A_160 : i32
      %add3A_162 = arith.constant 5 : i32
      %add3A_163 = arith.addi %mul3A_161, %add3A_162 : i32
      %add3A_164 = vector.broadcast %add3A_163 : i32 to vector<16xi32>
      %add3A_165 = arith.addi %add3A_164, %mul3A_7 : vector<16xi32>
      tpu.vector_store_idx %arg6[%add3A_165], %get3A_159 : memref<6656xi32, #tpu.memory_space<vmem>>[vector<16xi32>], vector<16xi32>,
    }
    %scan3A_36 = arith.constant 32 : i32
    %scan3A_37 = arith.constant 0 : i32
    %scan3A_38 = arith.constant 32 : i32
    %scan3A_39 = arith.addi %scan3A_37, %scan3A_38 : i32
    %scan3A_40 = arith.constant 1 : i32
    scf.for %scan3A_150 = %scan3A_37 to %scan3A_39 step %scan3A_40  : i32 {
      %mul3A_151 = arith.constant 1 : i32
      %mul3A_152 = arith.muli %scan3A_150, %mul3A_151 : i32
      %add3A_153 = arith.constant 0 : i32
      %add3A_154 = arith.addi %add3A_153, %mul3A_152 : i32
      %mul3A_155 = arith.constant 16 : i32
      %mul3A_156 = arith.muli %add3A_154, %mul3A_155 : i32
      %get3A = arith.constant 6 : i32
      %get3A_157 = arith.index_cast %get3A : i32 to index
      %get3A_158 = arith.index_cast %mul3A_156 : i32 to index
      %get3A_159 = tpu.vector_load %arg5[%get3A_157, %get3A_158] {strides = array<i32>} : memref<13x512xi32, #tpu.memory_space<vmem>>, vector<16xi32>,
      %mul3A_160 = arith.constant 208 : i32
      %mul3A_161 = arith.muli %add3A_154, %mul3A_160 : i32
      %add3A_162 = arith.constant 6 : i32
      %add3A_163 = arith.addi %mul3A_161, %add3A_162 : i32
      %add3A_164 = vector.broadcast %add3A_163 : i32 to vector<16xi32>
      %add3A_165 = arith.addi %add3A_164, %mul3A_7 : vector<16xi32>
      tpu.vector_store_idx %arg6[%add3A_165], %get3A_159 : memref<6656xi32, #tpu.memory_space<vmem>>[vector<16xi32>], vector<16xi32>,
    }
    %scan3A_41 = arith.constant 32 : i32
    %scan3A_42 = arith.constant 0 : i32
    %scan3A_43 = arith.constant 32 : i32
    %scan3A_44 = arith.addi %scan3A_42, %scan3A_43 : i32
    %scan3A_45 = arith.constant 1 : i32
    scf.for %scan3A_150 = %scan3A_42 to %scan3A_44 step %scan3A_45  : i32 {
      %mul3A_151 = arith.constant 1 : i32
      %mul3A_152 = arith.muli %scan3A_150, %mul3A_151 : i32
      %add3A_153 = arith.constant 0 : i32
      %add3A_154 = arith.addi %add3A_153, %mul3A_152 : i32
      %mul3A_155 = arith.constant 16 : i32
      %mul3A_156 = arith.muli %add3A_154, %mul3A_155 : i32
      %get3A = arith.constant 7 : i32
      %get3A_157 = arith.index_cast %get3A : i32 to index
      %get3A_158 = arith.index_cast %mul3A_156 : i32 to index
      %get3A_159 = tpu.vector_load %arg5[%get3A_157, %get3A_158] {strides = array<i32>} : memref<13x512xi32, #tpu.memory_space<vmem>>, vector<16xi32>,
      %mul3A_160 = arith.constant 208 : i32
      %mul3A_161 = arith.muli %add3A_154, %mul3A_160 : i32
      %add3A_162 = arith.constant 7 : i32
      %add3A_163 = arith.addi %mul3A_161, %add3A_162 : i32
      %add3A_164 = vector.broadcast %add3A_163 : i32 to vector<16xi32>
      %add3A_165 = arith.addi %add3A_164, %mul3A_7 : vector<16xi32>
      tpu.vector_store_idx %arg6[%add3A_165], %get3A_159 : memref<6656xi32, #tpu.memory_space<vmem>>[vector<16xi32>], vector<16xi32>,
    }
    %scan3A_46 = arith.constant 32 : i32
    %scan3A_47 = arith.constant 0 : i32
    %scan3A_48 = arith.constant 32 : i32
    %scan3A_49 = arith.addi %scan3A_47, %scan3A_48 : i32
    %scan3A_50 = arith.constant 1 : i32
    scf.for %scan3A_150 = %scan3A_47 to %scan3A_49 step %scan3A_50  : i32 {
      %mul3A_151 = arith.constant 1 : i32
      %mul3A_152 = arith.muli %scan3A_150, %mul3A_151 : i32
      %add3A_153 = arith.constant 0 : i32
      %add3A_154 = arith.addi %add3A_153, %mul3A_152 : i32
      %mul3A_155 = arith.constant 16 : i32
      %mul3A_156 = arith.muli %add3A_154, %mul3A_155 : i32
      %get3A = arith.constant 8 : i32
      %get3A_157 = arith.index_cast %get3A : i32 to index
      %get3A_158 = arith.index_cast %mul3A_156 : i32 to index
      %get3A_159 = tpu.vector_load %arg5[%get3A_157, %get3A_158] {strides = array<i32>} : memref<13x512xi32, #tpu.memory_space<vmem>>, vector<16xi32>,
      %mul3A_160 = arith.constant 208 : i32
      %mul3A_161 = arith.muli %add3A_154, %mul3A_160 : i32
      %add3A_162 = arith.constant 8 : i32
      %add3A_163 = arith.addi %mul3A_161, %add3A_162 : i32
      %add3A_164 = vector.broadcast %add3A_163 : i32 to vector<16xi32>
      %add3A_165 = arith.addi %add3A_164, %mul3A_7 : vector<16xi32>
      tpu.vector_store_idx %arg6[%add3A_165], %get3A_159 : memref<6656xi32, #tpu.memory_space<vmem>>[vector<16xi32>], vector<16xi32>,
    }
    %scan3A_51 = arith.constant 32 : i32
    %scan3A_52 = arith.constant 0 : i32
    %scan3A_53 = arith.constant 32 : i32
    %scan3A_54 = arith.addi %scan3A_52, %scan3A_53 : i32
    %scan3A_55 = arith.constant 1 : i32
    scf.for %scan3A_150 = %scan3A_52 to %scan3A_54 step %scan3A_55  : i32 {
      %mul3A_151 = arith.constant 1 : i32
      %mul3A_152 = arith.muli %scan3A_150, %mul3A_151 : i32
      %add3A_153 = arith.constant 0 : i32
      %add3A_154 = arith.addi %add3A_153, %mul3A_152 : i32
      %mul3A_155 = arith.constant 16 : i32
      %mul3A_156 = arith.muli %add3A_154, %mul3A_155 : i32
      %get3A = arith.constant 9 : i32
      %get3A_157 = arith.index_cast %get3A : i32 to index
      %get3A_158 = arith.index_cast %mul3A_156 : i32 to index
      %get3A_159 = tpu.vector_load %arg5[%get3A_157, %get3A_158] {strides = array<i32>} : memref<13x512xi32, #tpu.memory_space<vmem>>, vector<16xi32>,
      %mul3A_160 = arith.constant 208 : i32
      %mul3A_161 = arith.muli %add3A_154, %mul3A_160 : i32
      %add3A_162 = arith.constant 9 : i32
      %add3A_163 = arith.addi %mul3A_161, %add3A_162 : i32
      %add3A_164 = vector.broadcast %add3A_163 : i32 to vector<16xi32>
      %add3A_165 = arith.addi %add3A_164, %mul3A_7 : vector<16xi32>
      tpu.vector_store_idx %arg6[%add3A_165], %get3A_159 : memref<6656xi32, #tpu.memory_space<vmem>>[vector<16xi32>], vector<16xi32>,
    }
    %scan3A_56 = arith.constant 32 : i32
    %scan3A_57 = arith.constant 0 : i32
    %scan3A_58 = arith.constant 32 : i32
    %scan3A_59 = arith.addi %scan3A_57, %scan3A_58 : i32
    %scan3A_60 = arith.constant 1 : i32
    scf.for %scan3A_150 = %scan3A_57 to %scan3A_59 step %scan3A_60  : i32 {
      %mul3A_151 = arith.constant 1 : i32
      %mul3A_152 = arith.muli %scan3A_150, %mul3A_151 : i32
      %add3A_153 = arith.constant 0 : i32
      %add3A_154 = arith.addi %add3A_153, %mul3A_152 : i32
      %mul3A_155 = arith.constant 16 : i32
      %mul3A_156 = arith.muli %add3A_154, %mul3A_155 : i32
      %get3A = arith.constant 10 : i32
      %get3A_157 = arith.index_cast %get3A : i32 to index
      %get3A_158 = arith.index_cast %mul3A_156 : i32 to index
      %get3A_159 = tpu.vector_load %arg5[%get3A_157, %get3A_158] {strides = array<i32>} : memref<13x512xi32, #tpu.memory_space<vmem>>, vector<16xi32>,
      %mul3A_160 = arith.constant 208 : i32
      %mul3A_161 = arith.muli %add3A_154, %mul3A_160 : i32
      %add3A_162 = arith.constant 10 : i32
      %add3A_163 = arith.addi %mul3A_161, %add3A_162 : i32
      %add3A_164 = vector.broadcast %add3A_163 : i32 to vector<16xi32>
      %add3A_165 = arith.addi %add3A_164, %mul3A_7 : vector<16xi32>
      tpu.vector_store_idx %arg6[%add3A_165], %get3A_159 : memref<6656xi32, #tpu.memory_space<vmem>>[vector<16xi32>], vector<16xi32>,
    }
    %scan3A_61 = arith.constant 32 : i32
    %scan3A_62 = arith.constant 0 : i32
    %scan3A_63 = arith.constant 32 : i32
    %scan3A_64 = arith.addi %scan3A_62, %scan3A_63 : i32
    %scan3A_65 = arith.constant 1 : i32
    scf.for %scan3A_150 = %scan3A_62 to %scan3A_64 step %scan3A_65  : i32 {
      %mul3A_151 = arith.constant 1 : i32
      %mul3A_152 = arith.muli %scan3A_150, %mul3A_151 : i32
      %add3A_153 = arith.constant 0 : i32
      %add3A_154 = arith.addi %add3A_153, %mul3A_152 : i32
      %mul3A_155 = arith.constant 16 : i32
      %mul3A_156 = arith.muli %add3A_154, %mul3A_155 : i32
      %get3A = arith.constant 11 : i32
      %get3A_157 = arith.index_cast %get3A : i32 to index
      %get3A_158 = arith.index_cast %mul3A_156 : i32 to index
      %get3A_159 = tpu.vector_load %arg5[%get3A_157, %get3A_158] {strides = array<i32>} : memref<13x512xi32, #tpu.memory_space<vmem>>, vector<16xi32>,
      %mul3A_160 = arith.constant 208 : i32
      %mul3A_161 = arith.muli %add3A_154, %mul3A_160 : i32
      %add3A_162 = arith.constant 11 : i32
      %add3A_163 = arith.addi %mul3A_161, %add3A_162 : i32
      %add3A_164 = vector.broadcast %add3A_163 : i32 to vector<16xi32>
      %add3A_165 = arith.addi %add3A_164, %mul3A_7 : vector<16xi32>
      tpu.vector_store_idx %arg6[%add3A_165], %get3A_159 : memref<6656xi32, #tpu.memory_space<vmem>>[vector<16xi32>], vector<16xi32>,
    }
    %scan3A_66 = arith.constant 32 : i32
    %scan3A_67 = arith.constant 0 : i32
    %scan3A_68 = arith.constant 32 : i32
    %scan3A_69 = arith.addi %scan3A_67, %scan3A_68 : i32
    %scan3A_70 = arith.constant 1 : i32
    scf.for %scan3A_150 = %scan3A_67 to %scan3A_69 step %scan3A_70  : i32 {
      %mul3A_151 = arith.constant 1 : i32
      %mul3A_152 = arith.muli %scan3A_150, %mul3A_151 : i32
      %add3A_153 = arith.constant 0 : i32
      %add3A_154 = arith.addi %add3A_153, %mul3A_152 : i32
      %mul3A_155 = arith.constant 16 : i32
      %mul3A_156 = arith.muli %add3A_154, %mul3A_155 : i32
      %get3A = arith.constant 12 : i32
      %get3A_157 = arith.index_cast %get3A : i32 to index
      %get3A_158 = arith.index_cast %mul3A_156 : i32 to index
      %get3A_159 = tpu.vector_load %arg5[%get3A_157, %get3A_158] {strides = array<i32>} : memref<13x512xi32, #tpu.memory_space<vmem>>, vector<16xi32>,
      %mul3A_160 = arith.constant 208 : i32
      %mul3A_161 = arith.muli %add3A_154, %mul3A_160 : i32
      %add3A_162 = arith.constant 12 : i32
      %add3A_163 = arith.addi %mul3A_161, %add3A_162 : i32
      %add3A_164 = vector.broadcast %add3A_163 : i32 to vector<16xi32>
      %add3A_165 = arith.addi %add3A_164, %mul3A_7 : vector<16xi32>
      tpu.vector_store_idx %arg6[%add3A_165], %get3A_159 : memref<6656xi32, #tpu.memory_space<vmem>>[vector<16xi32>], vector<16xi32>,
    }
    %scan3A_71 = arith.constant 32 : i32
    %dma_start3A = arith.constant 0 : i32
    %dma_start3A_72 = tpu.memref_slice %arg6[%dma_start3A] : memref<6656xi32, #tpu.memory_space<vmem>> -> memref<1664xi32, #tpu.memory_space<vmem>>
    %dma_start3A_73 = arith.constant 0 : i32
    %dma_start3A_74 = arith.constant 0 : i32
    %dma_start3A_75 = tpu.memref_slice %arg2[%dma_start3A_73, %dma_start3A_74] : memref<1304576x16xf32, #tpu.memory_space<hbm>> -> memref<1304576x16xf32, #tpu.memory_space<hbm>>
    tpu.enqueue_indirect_dma source(%dma_start3A_75 : memref<1304576x16xf32, #tpu.memory_space<hbm>>) target(%arg7 : memref<1664x16xf32, #tpu.memory_space<vmem>>) offsets(%dma_start3A_72 : memref<1664xi32, #tpu.memory_space<vmem>>) semaphore(%arg9 : memref<!tpu.dma_semaphore, #tpu.memory_space<semaphore_mem>>)
    %dma_wait3A = arith.constant 0 : i32
    %dma_wait3A_76 = tpu.memref_slice %arg6[%dma_wait3A] : memref<6656xi32, #tpu.memory_space<vmem>> -> memref<1664xi32, #tpu.memory_space<vmem>>
    %dma_wait3A_77 = arith.constant 0 : i32
    %dma_wait3A_78 = arith.constant 0 : i32
    %dma_wait3A_79 = tpu.memref_slice %arg2[%dma_wait3A_77, %dma_wait3A_78] : memref<1304576x16xf32, #tpu.memory_space<hbm>> -> memref<1304576x16xf32, #tpu.memory_space<hbm>>
    tpu.wait_indirect_dma semaphore(%arg9 : memref<!tpu.dma_semaphore, #tpu.memory_space<semaphore_mem>>) src(%dma_wait3A_79 : memref<1304576x16xf32, #tpu.memory_space<hbm>>) dst(%arg7 : memref<1664x16xf32, #tpu.memory_space<vmem>>)
    %add3A_80 = arith.constant 0 : i32
    %add3A_81 = arith.addi %mul3A_2, %add3A_80 : i32
    %dma_start3A_82 = arith.constant 0 : i32
    %dma_start3A_83 = tpu.memref_slice %arg4[%add3A_81, %dma_start3A_82] : memref<212992x16xf32, #tpu.memory_space<hbm>> -> memref<1664x16xf32, #tpu.memory_space<hbm>>
    %dma_start3A_84 = arith.constant 0 : i32
    %dma_start3A_85 = tpu.memref_slice %arg4[%add3A_81, %dma_start3A_84] : memref<212992x16xf32, #tpu.memory_space<hbm>> -> memref<1664x16xf32, #tpu.memory_space<hbm>>
    tpu.enqueue_dma source(%arg7 : memref<1664x16xf32, #tpu.memory_space<vmem>>) target(%dma_start3A_85 : memref<1664x16xf32, #tpu.memory_space<hbm>>) target_semaphore(%arg10 : memref<!tpu.dma_semaphore, #tpu.memory_space<semaphore_mem>>)
    %dma_start3A_86 = arith.constant 1664 : i32
    %dma_start3A_87 = tpu.memref_slice %arg6[%dma_start3A_86] : memref<6656xi32, #tpu.memory_space<vmem>> -> memref<1664xi32, #tpu.memory_space<vmem>>
    %dma_start3A_88 = arith.constant 0 : i32
    %dma_start3A_89 = arith.constant 0 : i32
    %dma_start3A_90 = tpu.memref_slice %arg2[%dma_start3A_88, %dma_start3A_89] : memref<1304576x16xf32, #tpu.memory_space<hbm>> -> memref<1304576x16xf32, #tpu.memory_space<hbm>>
    tpu.enqueue_indirect_dma source(%dma_start3A_90 : memref<1304576x16xf32, #tpu.memory_space<hbm>>) target(%arg8 : memref<1664x16xf32, #tpu.memory_space<vmem>>) offsets(%dma_start3A_87 : memref<1664xi32, #tpu.memory_space<vmem>>) semaphore(%arg9 : memref<!tpu.dma_semaphore, #tpu.memory_space<semaphore_mem>>)
    %dma_wait3A_91 = arith.constant 1664 : i32
    %dma_wait3A_92 = tpu.memref_slice %arg6[%dma_wait3A_91] : memref<6656xi32, #tpu.memory_space<vmem>> -> memref<1664xi32, #tpu.memory_space<vmem>>
    %dma_wait3A_93 = arith.constant 0 : i32
    %dma_wait3A_94 = arith.constant 0 : i32
    %dma_wait3A_95 = tpu.memref_slice %arg2[%dma_wait3A_93, %dma_wait3A_94] : memref<1304576x16xf32, #tpu.memory_space<hbm>> -> memref<1304576x16xf32, #tpu.memory_space<hbm>>
    tpu.wait_indirect_dma semaphore(%arg9 : memref<!tpu.dma_semaphore, #tpu.memory_space<semaphore_mem>>) src(%dma_wait3A_95 : memref<1304576x16xf32, #tpu.memory_space<hbm>>) dst(%arg8 : memref<1664x16xf32, #tpu.memory_space<vmem>>)
    %add3A_96 = arith.constant 1664 : i32
    %add3A_97 = arith.addi %mul3A_2, %add3A_96 : i32
    %dma_start3A_98 = arith.constant 0 : i32
    %dma_start3A_99 = tpu.memref_slice %arg4[%add3A_97, %dma_start3A_98] : memref<212992x16xf32, #tpu.memory_space<hbm>> -> memref<1664x16xf32, #tpu.memory_space<hbm>>
    %dma_start3A_100 = arith.constant 0 : i32
    %dma_start3A_101 = tpu.memref_slice %arg4[%add3A_97, %dma_start3A_100] : memref<212992x16xf32, #tpu.memory_space<hbm>> -> memref<1664x16xf32, #tpu.memory_space<hbm>>
    tpu.enqueue_dma source(%arg8 : memref<1664x16xf32, #tpu.memory_space<vmem>>) target(%dma_start3A_101 : memref<1664x16xf32, #tpu.memory_space<hbm>>) target_semaphore(%arg11 : memref<!tpu.dma_semaphore, #tpu.memory_space<semaphore_mem>>)
    %dma_wait3A_102 = arith.constant 0 : i32
    %dma_wait3A_103 = tpu.memref_slice %arg4[%add3A_81, %dma_wait3A_102] : memref<212992x16xf32, #tpu.memory_space<hbm>> -> memref<1664x16xf32, #tpu.memory_space<hbm>>
    %dma_wait3A_104 = arith.constant 0 : i32
    %dma_wait3A_105 = tpu.memref_slice %arg4[%add3A_81, %dma_wait3A_104] : memref<212992x16xf32, #tpu.memory_space<hbm>> -> memref<1664x16xf32, #tpu.memory_space<hbm>>
    tpu.wait_dma2 semaphore(%arg10 : memref<!tpu.dma_semaphore, #tpu.memory_space<semaphore_mem>>) src(%arg7 : memref<1664x16xf32, #tpu.memory_space<vmem>>) dst(%dma_wait3A_105 : memref<1664x16xf32, #tpu.memory_space<hbm>>)
    %dma_start3A_106 = arith.constant 3328 : i32
    %dma_start3A_107 = tpu.memref_slice %arg6[%dma_start3A_106] : memref<6656xi32, #tpu.memory_space<vmem>> -> memref<1664xi32, #tpu.memory_space<vmem>>
    %dma_start3A_108 = arith.constant 0 : i32
    %dma_start3A_109 = arith.constant 0 : i32
    %dma_start3A_110 = tpu.memref_slice %arg2[%dma_start3A_108, %dma_start3A_109] : memref<1304576x16xf32, #tpu.memory_space<hbm>> -> memref<1304576x16xf32, #tpu.memory_space<hbm>>
    tpu.enqueue_indirect_dma source(%dma_start3A_110 : memref<1304576x16xf32, #tpu.memory_space<hbm>>) target(%arg7 : memref<1664x16xf32, #tpu.memory_space<vmem>>) offsets(%dma_start3A_107 : memref<1664xi32, #tpu.memory_space<vmem>>) semaphore(%arg9 : memref<!tpu.dma_semaphore, #tpu.memory_space<semaphore_mem>>)
    %dma_wait3A_111 = arith.constant 3328 : i32
    %dma_wait3A_112 = tpu.memref_slice %arg6[%dma_wait3A_111] : memref<6656xi32, #tpu.memory_space<vmem>> -> memref<1664xi32, #tpu.memory_space<vmem>>
    %dma_wait3A_113 = arith.constant 0 : i32
    %dma_wait3A_114 = arith.constant 0 : i32
    %dma_wait3A_115 = tpu.memref_slice %arg2[%dma_wait3A_113, %dma_wait3A_114] : memref<1304576x16xf32, #tpu.memory_space<hbm>> -> memref<1304576x16xf32, #tpu.memory_space<hbm>>
    tpu.wait_indirect_dma semaphore(%arg9 : memref<!tpu.dma_semaphore, #tpu.memory_space<semaphore_mem>>) src(%dma_wait3A_115 : memref<1304576x16xf32, #tpu.memory_space<hbm>>) dst(%arg7 : memref<1664x16xf32, #tpu.memory_space<vmem>>)
    %add3A_116 = arith.constant 3328 : i32
    %add3A_117 = arith.addi %mul3A_2, %add3A_116 : i32
    %dma_start3A_118 = arith.constant 0 : i32
    %dma_start3A_119 = tpu.memref_slice %arg4[%add3A_117, %dma_start3A_118] : memref<212992x16xf32, #tpu.memory_space<hbm>> -> memref<1664x16xf32, #tpu.memory_space<hbm>>
    %dma_start3A_120 = arith.constant 0 : i32
    %dma_start3A_121 = tpu.memref_slice %arg4[%add3A_117, %dma_start3A_120] : memref<212992x16xf32, #tpu.memory_space<hbm>> -> memref<1664x16xf32, #tpu.memory_space<hbm>>
    tpu.enqueue_dma source(%arg7 : memref<1664x16xf32, #tpu.memory_space<vmem>>) target(%dma_start3A_121 : memref<1664x16xf32, #tpu.memory_space<hbm>>) target_semaphore(%arg10 : memref<!tpu.dma_semaphore, #tpu.memory_space<semaphore_mem>>)
    %dma_wait3A_122 = arith.constant 0 : i32
    %dma_wait3A_123 = tpu.memref_slice %arg4[%add3A_97, %dma_wait3A_122] : memref<212992x16xf32, #tpu.memory_space<hbm>> -> memref<1664x16xf32, #tpu.memory_space<hbm>>
    %dma_wait3A_124 = arith.constant 0 : i32
    %dma_wait3A_125 = tpu.memref_slice %arg4[%add3A_97, %dma_wait3A_124] : memref<212992x16xf32, #tpu.memory_space<hbm>> -> memref<1664x16xf32, #tpu.memory_space<hbm>>
    tpu.wait_dma2 semaphore(%arg11 : memref<!tpu.dma_semaphore, #tpu.memory_space<semaphore_mem>>) src(%arg8 : memref<1664x16xf32, #tpu.memory_space<vmem>>) dst(%dma_wait3A_125 : memref<1664x16xf32, #tpu.memory_space<hbm>>)
    %dma_start3A_126 = arith.constant 4992 : i32
    %dma_start3A_127 = tpu.memref_slice %arg6[%dma_start3A_126] : memref<6656xi32, #tpu.memory_space<vmem>> -> memref<1664xi32, #tpu.memory_space<vmem>>
    %dma_start3A_128 = arith.constant 0 : i32
    %dma_start3A_129 = arith.constant 0 : i32
    %dma_start3A_130 = tpu.memref_slice %arg2[%dma_start3A_128, %dma_start3A_129] : memref<1304576x16xf32, #tpu.memory_space<hbm>> -> memref<1304576x16xf32, #tpu.memory_space<hbm>>
    tpu.enqueue_indirect_dma source(%dma_start3A_130 : memref<1304576x16xf32, #tpu.memory_space<hbm>>) target(%arg8 : memref<1664x16xf32, #tpu.memory_space<vmem>>) offsets(%dma_start3A_127 : memref<1664xi32, #tpu.memory_space<vmem>>) semaphore(%arg9 : memref<!tpu.dma_semaphore, #tpu.memory_space<semaphore_mem>>)
    %dma_wait3A_131 = arith.constant 4992 : i32
    %dma_wait3A_132 = tpu.memref_slice %arg6[%dma_wait3A_131] : memref<6656xi32, #tpu.memory_space<vmem>> -> memref<1664xi32, #tpu.memory_space<vmem>>
    %dma_wait3A_133 = arith.constant 0 : i32
    %dma_wait3A_134 = arith.constant 0 : i32
    %dma_wait3A_135 = tpu.memref_slice %arg2[%dma_wait3A_133, %dma_wait3A_134] : memref<1304576x16xf32, #tpu.memory_space<hbm>> -> memref<1304576x16xf32, #tpu.memory_space<hbm>>
    tpu.wait_indirect_dma semaphore(%arg9 : memref<!tpu.dma_semaphore, #tpu.memory_space<semaphore_mem>>) src(%dma_wait3A_135 : memref<1304576x16xf32, #tpu.memory_space<hbm>>) dst(%arg8 : memref<1664x16xf32, #tpu.memory_space<vmem>>)
    %add3A_136 = arith.constant 4992 : i32
    %add3A_137 = arith.addi %mul3A_2, %add3A_136 : i32
    %dma_start3A_138 = arith.constant 0 : i32
    %dma_start3A_139 = tpu.memref_slice %arg4[%add3A_137, %dma_start3A_138] : memref<212992x16xf32, #tpu.memory_space<hbm>> -> memref<1664x16xf32, #tpu.memory_space<hbm>>
    %dma_start3A_140 = arith.constant 0 : i32
    %dma_start3A_141 = tpu.memref_slice %arg4[%add3A_137, %dma_start3A_140] : memref<212992x16xf32, #tpu.memory_space<hbm>> -> memref<1664x16xf32, #tpu.memory_space<hbm>>
    tpu.enqueue_dma source(%arg8 : memref<1664x16xf32, #tpu.memory_space<vmem>>) target(%dma_start3A_141 : memref<1664x16xf32, #tpu.memory_space<hbm>>) target_semaphore(%arg11 : memref<!tpu.dma_semaphore, #tpu.memory_space<semaphore_mem>>)
    %dma_wait3A_142 = arith.constant 0 : i32
    %dma_wait3A_143 = tpu.memref_slice %arg4[%add3A_117, %dma_wait3A_142] : memref<212992x16xf32, #tpu.memory_space<hbm>> -> memref<1664x16xf32, #tpu.memory_space<hbm>>
    %dma_wait3A_144 = arith.constant 0 : i32
    %dma_wait3A_145 = tpu.memref_slice %arg4[%add3A_117, %dma_wait3A_144] : memref<212992x16xf32, #tpu.memory_space<hbm>> -> memref<1664x16xf32, #tpu.memory_space<hbm>>
    tpu.wait_dma2 semaphore(%arg10 : memref<!tpu.dma_semaphore, #tpu.memory_space<semaphore_mem>>) src(%arg7 : memref<1664x16xf32, #tpu.memory_space<vmem>>) dst(%dma_wait3A_145 : memref<1664x16xf32, #tpu.memory_space<hbm>>)
    %dma_wait3A_146 = arith.constant 0 : i32
    %dma_wait3A_147 = tpu.memref_slice %arg4[%add3A_137, %dma_wait3A_146] : memref<212992x16xf32, #tpu.memory_space<hbm>> -> memref<1664x16xf32, #tpu.memory_space<hbm>>
    %dma_wait3A_148 = arith.constant 0 : i32
    %dma_wait3A_149 = tpu.memref_slice %arg4[%add3A_137, %dma_wait3A_148] : memref<212992x16xf32, #tpu.memory_space<hbm>> -> memref<1664x16xf32, #tpu.memory_space<hbm>>
    tpu.wait_dma2 semaphore(%arg11 : memref<!tpu.dma_semaphore, #tpu.memory_space<semaphore_mem>>) src(%arg8 : memref<1664x16xf32, #tpu.memory_space<vmem>>) dst(%dma_wait3A_149 : memref<1664x16xf32, #tpu.memory_space<hbm>>)
    return
  }
}

#map = affine_map<(d0, d1) -> (0, 0)>
module attributes {stable_mosaic.version = 14 : i64} {
  func.func @gather_k(%arg0: i32, %arg1: i32, %arg2: memref<1304576x16xf32, #tpu.memory_space<hbm>>, %arg3: memref<26x16384xi32, #tpu.memory_space<hbm>>, %arg4: memref<212992x16xf32, #tpu.memory_space<hbm>>, %arg5: memref<13x512xi32, #tpu.memory_space<vmem>>, %arg6: memref<6656xi32, #tpu.memory_space<vmem>>, %arg7: memref<1664x16xf32, #tpu.memory_space<vmem>>, %arg8: memref<1664x16xf32, #tpu.memory_space<vmem>>, %arg9: memref<!tpu.dma_semaphore, #tpu.memory_space<semaphore_mem>>, %arg10: memref<!tpu.dma_semaphore, #tpu.memory_space<semaphore_mem>>, %arg11: memref<!tpu.dma_semaphore, #tpu.memory_space<semaphore_mem>>) attributes {dimension_semantics = [#tpu.dimension_semantics<core_parallel>, #tpu.dimension_semantics<subcore_parallel>], iteration_bounds = array<i64: 2, 16>, scalar_prefetch = 0 : i64, scratch_operands = 7 : i64, tpu.core_type = #tpu.core_type<sc_vector_subcore>, window_params = [{transform_indices = #map}, {transform_indices = #map}, {transform_indices = #map}]} {
    %mul3A = arith.constant 2 : i32
    %mul3A_0 = arith.muli %arg1, %mul3A : i32
    %add3A = arith.addi %mul3A_0, %arg0 : i32
    %mul3A_1 = arith.constant 6656 : i32
    %mul3A_2 = arith.muli %add3A, %mul3A_1 : i32
    %mul3A_3 = arith.constant 512 : i32
    %mul3A_4 = arith.muli %add3A, %mul3A_3 : i32
    "tpu.region"() ({
      %run_scoped3A = tpu.sem_alloc : memref<!tpu.dma_semaphore, #tpu.memory_space<semaphore_mem>>
      %dma_start3A_150 = arith.constant 0 : i32
      %dma_start3A_151 = tpu.memref_slice %arg3[%dma_start3A_150, %mul3A_4] : memref<26x16384xi32, #tpu.memory_space<hbm>> -> memref<13x512xi32, #tpu.memory_space<hbm>>
      %dma_start3A_152 = arith.constant 0 : i32
      %dma_start3A_153 = tpu.memref_slice %arg3[%dma_start3A_152, %mul3A_4] : memref<26x16384xi32, #tpu.memory_space<hbm>> -> memref<13x512xi32, #tpu.memory_space<hbm>>
      tpu.enqueue_dma source(%dma_start3A_153 : memref<13x512xi32, #tpu.memory_space<hbm>>) target(%arg5 : memref<13x512xi32, #tpu.memory_space<vmem>>) target_semaphore(%run_scoped3A : memref<!tpu.dma_semaphore, #tpu.memory_space<semaphore_mem>>)
      %dma_wait3A_154 = arith.constant 0 : i32
      %dma_wait3A_155 = tpu.memref_slice %arg3[%dma_wait3A_154, %mul3A_4] : memref<26x16384xi32, #tpu.memory_space<hbm>> -> memref<13x512xi32, #tpu.memory_space<hbm>>
      %dma_wait3A_156 = arith.constant 0 : i32
      %dma_wait3A_157 = tpu.memref_slice %arg3[%dma_wait3A_156, %mul3A_4] : memref<26x16384xi32, #tpu.memory_space<hbm>> -> memref<13x512xi32, #tpu.memory_space<hbm>>
      tpu.wait_dma2 semaphore(%run_scoped3A : memref<!tpu.dma_semaphore, #tpu.memory_space<semaphore_mem>>) src(%dma_wait3A_157 : memref<13x512xi32, #tpu.memory_space<hbm>>) dst(%arg5 : memref<13x512xi32, #tpu.memory_space<vmem>>)
      tpu.yield
    }) : () -> ()
    %iota3A = tpu.iota {dimensions = array<i32: 0>} : vector<16xi32>
    %mul3A_5 = arith.constant 13 : i32
    %mul3A_6 = vector.broadcast %mul3A_5 : i32 to vector<16xi32>
    %mul3A_7 = arith.muli %iota3A, %mul3A_6 : vector<16xi32>
    %scan3A = arith.constant 0 : i32
    %scan3A_8 = arith.constant 32 : i32
    %scan3A_9 = arith.addi %scan3A, %scan3A_8 : i32
    %scan3A_10 = arith.constant 1 : i32
    scf.for %scan3A_150 = %scan3A to %scan3A_9 step %scan3A_10  : i32 {
      %mul3A_151 = arith.constant 1 : i32
      %mul3A_152 = arith.muli %scan3A_150, %mul3A_151 : i32
      %add3A_153 = arith.constant 0 : i32
      %add3A_154 = arith.addi %add3A_153, %mul3A_152 : i32
      %mul3A_155 = arith.constant 16 : i32
      %mul3A_156 = arith.muli %add3A_154, %mul3A_155 : i32
      %get3A = arith.constant 0 : i32
      %get3A_157 = arith.index_cast %get3A : i32 to index
      %get3A_158 = arith.index_cast %mul3A_156 : i32 to index
      %get3A_159 = tpu.vector_load %arg5[%get3A_157, %get3A_158] {strides = array<i32>} : memref<13x512xi32, #tpu.memory_space<vmem>>, vector<16xi32>,
      %mul3A_160 = arith.constant 208 : i32
      %mul3A_161 = arith.muli %add3A_154, %mul3A_160 : i32
      %add3A_162 = arith.constant 0 : i32
      %add3A_163 = arith.addi %mul3A_161, %add3A_162 : i32
      %add3A_164 = vector.broadcast %add3A_163 : i32 to vector<16xi32>
      %add3A_165 = arith.addi %add3A_164, %mul3A_7 : vector<16xi32>
      tpu.vector_store_idx %arg6[%add3A_165], %get3A_159 : memref<6656xi32, #tpu.memory_space<vmem>>[vector<16xi32>], vector<16xi32>,
    }
    %scan3A_11 = arith.constant 32 : i32
    %scan3A_12 = arith.constant 0 : i32
    %scan3A_13 = arith.constant 32 : i32
    %scan3A_14 = arith.addi %scan3A_12, %scan3A_13 : i32
    %scan3A_15 = arith.constant 1 : i32
    scf.for %scan3A_150 = %scan3A_12 to %scan3A_14 step %scan3A_15  : i32 {
      %mul3A_151 = arith.constant 1 : i32
      %mul3A_152 = arith.muli %scan3A_150, %mul3A_151 : i32
      %add3A_153 = arith.constant 0 : i32
      %add3A_154 = arith.addi %add3A_153, %mul3A_152 : i32
      %mul3A_155 = arith.constant 16 : i32
      %mul3A_156 = arith.muli %add3A_154, %mul3A_155 : i32
      %get3A = arith.constant 1 : i32
      %get3A_157 = arith.index_cast %get3A : i32 to index
      %get3A_158 = arith.index_cast %mul3A_156 : i32 to index
      %get3A_159 = tpu.vector_load %arg5[%get3A_157, %get3A_158] {strides = array<i32>} : memref<13x512xi32, #tpu.memory_space<vmem>>, vector<16xi32>,
      %mul3A_160 = arith.constant 208 : i32
      %mul3A_161 = arith.muli %add3A_154, %mul3A_160 : i32
      %add3A_162 = arith.constant 1 : i32
      %add3A_163 = arith.addi %mul3A_161, %add3A_162 : i32
      %add3A_164 = vector.broadcast %add3A_163 : i32 to vector<16xi32>
      %add3A_165 = arith.addi %add3A_164, %mul3A_7 : vector<16xi32>
      tpu.vector_store_idx %arg6[%add3A_165], %get3A_159 : memref<6656xi32, #tpu.memory_space<vmem>>[vector<16xi32>], vector<16xi32>,
    }
    %scan3A_16 = arith.constant 32 : i32
    %scan3A_17 = arith.constant 0 : i32
    %scan3A_18 = arith.constant 32 : i32
    %scan3A_19 = arith.addi %scan3A_17, %scan3A_18 : i32
    %scan3A_20 = arith.constant 1 : i32
    scf.for %scan3A_150 = %scan3A_17 to %scan3A_19 step %scan3A_20  : i32 {
      %mul3A_151 = arith.constant 1 : i32
      %mul3A_152 = arith.muli %scan3A_150, %mul3A_151 : i32
      %add3A_153 = arith.constant 0 : i32
      %add3A_154 = arith.addi %add3A_153, %mul3A_152 : i32
      %mul3A_155 = arith.constant 16 : i32
      %mul3A_156 = arith.muli %add3A_154, %mul3A_155 : i32
      %get3A = arith.constant 2 : i32
      %get3A_157 = arith.index_cast %get3A : i32 to index
      %get3A_158 = arith.index_cast %mul3A_156 : i32 to index
      %get3A_159 = tpu.vector_load %arg5[%get3A_157, %get3A_158] {strides = array<i32>} : memref<13x512xi32, #tpu.memory_space<vmem>>, vector<16xi32>,
      %mul3A_160 = arith.constant 208 : i32
      %mul3A_161 = arith.muli %add3A_154, %mul3A_160 : i32
      %add3A_162 = arith.constant 2 : i32
      %add3A_163 = arith.addi %mul3A_161, %add3A_162 : i32
      %add3A_164 = vector.broadcast %add3A_163 : i32 to vector<16xi32>
      %add3A_165 = arith.addi %add3A_164, %mul3A_7 : vector<16xi32>
      tpu.vector_store_idx %arg6[%add3A_165], %get3A_159 : memref<6656xi32, #tpu.memory_space<vmem>>[vector<16xi32>], vector<16xi32>,
    }
    %scan3A_21 = arith.constant 32 : i32
    %scan3A_22 = arith.constant 0 : i32
    %scan3A_23 = arith.constant 32 : i32
    %scan3A_24 = arith.addi %scan3A_22, %scan3A_23 : i32
    %scan3A_25 = arith.constant 1 : i32
    scf.for %scan3A_150 = %scan3A_22 to %scan3A_24 step %scan3A_25  : i32 {
      %mul3A_151 = arith.constant 1 : i32
      %mul3A_152 = arith.muli %scan3A_150, %mul3A_151 : i32
      %add3A_153 = arith.constant 0 : i32
      %add3A_154 = arith.addi %add3A_153, %mul3A_152 : i32
      %mul3A_155 = arith.constant 16 : i32
      %mul3A_156 = arith.muli %add3A_154, %mul3A_155 : i32
      %get3A = arith.constant 3 : i32
      %get3A_157 = arith.index_cast %get3A : i32 to index
      %get3A_158 = arith.index_cast %mul3A_156 : i32 to index
      %get3A_159 = tpu.vector_load %arg5[%get3A_157, %get3A_158] {strides = array<i32>} : memref<13x512xi32, #tpu.memory_space<vmem>>, vector<16xi32>,
      %mul3A_160 = arith.constant 208 : i32
      %mul3A_161 = arith.muli %add3A_154, %mul3A_160 : i32
      %add3A_162 = arith.constant 3 : i32
      %add3A_163 = arith.addi %mul3A_161, %add3A_162 : i32
      %add3A_164 = vector.broadcast %add3A_163 : i32 to vector<16xi32>
      %add3A_165 = arith.addi %add3A_164, %mul3A_7 : vector<16xi32>
      tpu.vector_store_idx %arg6[%add3A_165], %get3A_159 : memref<6656xi32, #tpu.memory_space<vmem>>[vector<16xi32>], vector<16xi32>,
    }
    %scan3A_26 = arith.constant 32 : i32
    %scan3A_27 = arith.constant 0 : i32
    %scan3A_28 = arith.constant 32 : i32
    %scan3A_29 = arith.addi %scan3A_27, %scan3A_28 : i32
    %scan3A_30 = arith.constant 1 : i32
    scf.for %scan3A_150 = %scan3A_27 to %scan3A_29 step %scan3A_30  : i32 {
      %mul3A_151 = arith.constant 1 : i32
      %mul3A_152 = arith.muli %scan3A_150, %mul3A_151 : i32
      %add3A_153 = arith.constant 0 : i32
      %add3A_154 = arith.addi %add3A_153, %mul3A_152 : i32
      %mul3A_155 = arith.constant 16 : i32
      %mul3A_156 = arith.muli %add3A_154, %mul3A_155 : i32
      %get3A = arith.constant 4 : i32
      %get3A_157 = arith.index_cast %get3A : i32 to index
      %get3A_158 = arith.index_cast %mul3A_156 : i32 to index
      %get3A_159 = tpu.vector_load %arg5[%get3A_157, %get3A_158] {strides = array<i32>} : memref<13x512xi32, #tpu.memory_space<vmem>>, vector<16xi32>,
      %mul3A_160 = arith.constant 208 : i32
      %mul3A_161 = arith.muli %add3A_154, %mul3A_160 : i32
      %add3A_162 = arith.constant 4 : i32
      %add3A_163 = arith.addi %mul3A_161, %add3A_162 : i32
      %add3A_164 = vector.broadcast %add3A_163 : i32 to vector<16xi32>
      %add3A_165 = arith.addi %add3A_164, %mul3A_7 : vector<16xi32>
      tpu.vector_store_idx %arg6[%add3A_165], %get3A_159 : memref<6656xi32, #tpu.memory_space<vmem>>[vector<16xi32>], vector<16xi32>,
    }
    %scan3A_31 = arith.constant 32 : i32
    %scan3A_32 = arith.constant 0 : i32
    %scan3A_33 = arith.constant 32 : i32
    %scan3A_34 = arith.addi %scan3A_32, %scan3A_33 : i32
    %scan3A_35 = arith.constant 1 : i32
    scf.for %scan3A_150 = %scan3A_32 to %scan3A_34 step %scan3A_35  : i32 {
      %mul3A_151 = arith.constant 1 : i32
      %mul3A_152 = arith.muli %scan3A_150, %mul3A_151 : i32
      %add3A_153 = arith.constant 0 : i32
      %add3A_154 = arith.addi %add3A_153, %mul3A_152 : i32
      %mul3A_155 = arith.constant 16 : i32
      %mul3A_156 = arith.muli %add3A_154, %mul3A_155 : i32
      %get3A = arith.constant 5 : i32
      %get3A_157 = arith.index_cast %get3A : i32 to index
      %get3A_158 = arith.index_cast %mul3A_156 : i32 to index
      %get3A_159 = tpu.vector_load %arg5[%get3A_157, %get3A_158] {strides = array<i32>} : memref<13x512xi32, #tpu.memory_space<vmem>>, vector<16xi32>,
      %mul3A_160 = arith.constant 208 : i32
      %mul3A_161 = arith.muli %add3A_154, %mul3A_160 : i32
      %add3A_162 = arith.constant 5 : i32
      %add3A_163 = arith.addi %mul3A_161, %add3A_162 : i32
      %add3A_164 = vector.broadcast %add3A_163 : i32 to vector<16xi32>
      %add3A_165 = arith.addi %add3A_164, %mul3A_7 : vector<16xi32>
      tpu.vector_store_idx %arg6[%add3A_165], %get3A_159 : memref<6656xi32, #tpu.memory_space<vmem>>[vector<16xi32>], vector<16xi32>,
    }
    %scan3A_36 = arith.constant 32 : i32
    %scan3A_37 = arith.constant 0 : i32
    %scan3A_38 = arith.constant 32 : i32
    %scan3A_39 = arith.addi %scan3A_37, %scan3A_38 : i32
    %scan3A_40 = arith.constant 1 : i32
    scf.for %scan3A_150 = %scan3A_37 to %scan3A_39 step %scan3A_40  : i32 {
      %mul3A_151 = arith.constant 1 : i32
      %mul3A_152 = arith.muli %scan3A_150, %mul3A_151 : i32
      %add3A_153 = arith.constant 0 : i32
      %add3A_154 = arith.addi %add3A_153, %mul3A_152 : i32
      %mul3A_155 = arith.constant 16 : i32
      %mul3A_156 = arith.muli %add3A_154, %mul3A_155 : i32
      %get3A = arith.constant 6 : i32
      %get3A_157 = arith.index_cast %get3A : i32 to index
      %get3A_158 = arith.index_cast %mul3A_156 : i32 to index
      %get3A_159 = tpu.vector_load %arg5[%get3A_157, %get3A_158] {strides = array<i32>} : memref<13x512xi32, #tpu.memory_space<vmem>>, vector<16xi32>,
      %mul3A_160 = arith.constant 208 : i32
      %mul3A_161 = arith.muli %add3A_154, %mul3A_160 : i32
      %add3A_162 = arith.constant 6 : i32
      %add3A_163 = arith.addi %mul3A_161, %add3A_162 : i32
      %add3A_164 = vector.broadcast %add3A_163 : i32 to vector<16xi32>
      %add3A_165 = arith.addi %add3A_164, %mul3A_7 : vector<16xi32>
      tpu.vector_store_idx %arg6[%add3A_165], %get3A_159 : memref<6656xi32, #tpu.memory_space<vmem>>[vector<16xi32>], vector<16xi32>,
    }
    %scan3A_41 = arith.constant 32 : i32
    %scan3A_42 = arith.constant 0 : i32
    %scan3A_43 = arith.constant 32 : i32
    %scan3A_44 = arith.addi %scan3A_42, %scan3A_43 : i32
    %scan3A_45 = arith.constant 1 : i32
    scf.for %scan3A_150 = %scan3A_42 to %scan3A_44 step %scan3A_45  : i32 {
      %mul3A_151 = arith.constant 1 : i32
      %mul3A_152 = arith.muli %scan3A_150, %mul3A_151 : i32
      %add3A_153 = arith.constant 0 : i32
      %add3A_154 = arith.addi %add3A_153, %mul3A_152 : i32
      %mul3A_155 = arith.constant 16 : i32
      %mul3A_156 = arith.muli %add3A_154, %mul3A_155 : i32
      %get3A = arith.constant 7 : i32
      %get3A_157 = arith.index_cast %get3A : i32 to index
      %get3A_158 = arith.index_cast %mul3A_156 : i32 to index
      %get3A_159 = tpu.vector_load %arg5[%get3A_157, %get3A_158] {strides = array<i32>} : memref<13x512xi32, #tpu.memory_space<vmem>>, vector<16xi32>,
      %mul3A_160 = arith.constant 208 : i32
      %mul3A_161 = arith.muli %add3A_154, %mul3A_160 : i32
      %add3A_162 = arith.constant 7 : i32
      %add3A_163 = arith.addi %mul3A_161, %add3A_162 : i32
      %add3A_164 = vector.broadcast %add3A_163 : i32 to vector<16xi32>
      %add3A_165 = arith.addi %add3A_164, %mul3A_7 : vector<16xi32>
      tpu.vector_store_idx %arg6[%add3A_165], %get3A_159 : memref<6656xi32, #tpu.memory_space<vmem>>[vector<16xi32>], vector<16xi32>,
    }
    %scan3A_46 = arith.constant 32 : i32
    %scan3A_47 = arith.constant 0 : i32
    %scan3A_48 = arith.constant 32 : i32
    %scan3A_49 = arith.addi %scan3A_47, %scan3A_48 : i32
    %scan3A_50 = arith.constant 1 : i32
    scf.for %scan3A_150 = %scan3A_47 to %scan3A_49 step %scan3A_50  : i32 {
      %mul3A_151 = arith.constant 1 : i32
      %mul3A_152 = arith.muli %scan3A_150, %mul3A_151 : i32
      %add3A_153 = arith.constant 0 : i32
      %add3A_154 = arith.addi %add3A_153, %mul3A_152 : i32
      %mul3A_155 = arith.constant 16 : i32
      %mul3A_156 = arith.muli %add3A_154, %mul3A_155 : i32
      %get3A = arith.constant 8 : i32
      %get3A_157 = arith.index_cast %get3A : i32 to index
      %get3A_158 = arith.index_cast %mul3A_156 : i32 to index
      %get3A_159 = tpu.vector_load %arg5[%get3A_157, %get3A_158] {strides = array<i32>} : memref<13x512xi32, #tpu.memory_space<vmem>>, vector<16xi32>,
      %mul3A_160 = arith.constant 208 : i32
      %mul3A_161 = arith.muli %add3A_154, %mul3A_160 : i32
      %add3A_162 = arith.constant 8 : i32
      %add3A_163 = arith.addi %mul3A_161, %add3A_162 : i32
      %add3A_164 = vector.broadcast %add3A_163 : i32 to vector<16xi32>
      %add3A_165 = arith.addi %add3A_164, %mul3A_7 : vector<16xi32>
      tpu.vector_store_idx %arg6[%add3A_165], %get3A_159 : memref<6656xi32, #tpu.memory_space<vmem>>[vector<16xi32>], vector<16xi32>,
    }
    %scan3A_51 = arith.constant 32 : i32
    %scan3A_52 = arith.constant 0 : i32
    %scan3A_53 = arith.constant 32 : i32
    %scan3A_54 = arith.addi %scan3A_52, %scan3A_53 : i32
    %scan3A_55 = arith.constant 1 : i32
    scf.for %scan3A_150 = %scan3A_52 to %scan3A_54 step %scan3A_55  : i32 {
      %mul3A_151 = arith.constant 1 : i32
      %mul3A_152 = arith.muli %scan3A_150, %mul3A_151 : i32
      %add3A_153 = arith.constant 0 : i32
      %add3A_154 = arith.addi %add3A_153, %mul3A_152 : i32
      %mul3A_155 = arith.constant 16 : i32
      %mul3A_156 = arith.muli %add3A_154, %mul3A_155 : i32
      %get3A = arith.constant 9 : i32
      %get3A_157 = arith.index_cast %get3A : i32 to index
      %get3A_158 = arith.index_cast %mul3A_156 : i32 to index
      %get3A_159 = tpu.vector_load %arg5[%get3A_157, %get3A_158] {strides = array<i32>} : memref<13x512xi32, #tpu.memory_space<vmem>>, vector<16xi32>,
      %mul3A_160 = arith.constant 208 : i32
      %mul3A_161 = arith.muli %add3A_154, %mul3A_160 : i32
      %add3A_162 = arith.constant 9 : i32
      %add3A_163 = arith.addi %mul3A_161, %add3A_162 : i32
      %add3A_164 = vector.broadcast %add3A_163 : i32 to vector<16xi32>
      %add3A_165 = arith.addi %add3A_164, %mul3A_7 : vector<16xi32>
      tpu.vector_store_idx %arg6[%add3A_165], %get3A_159 : memref<6656xi32, #tpu.memory_space<vmem>>[vector<16xi32>], vector<16xi32>,
    }
    %scan3A_56 = arith.constant 32 : i32
    %scan3A_57 = arith.constant 0 : i32
    %scan3A_58 = arith.constant 32 : i32
    %scan3A_59 = arith.addi %scan3A_57, %scan3A_58 : i32
    %scan3A_60 = arith.constant 1 : i32
    scf.for %scan3A_150 = %scan3A_57 to %scan3A_59 step %scan3A_60  : i32 {
      %mul3A_151 = arith.constant 1 : i32
      %mul3A_152 = arith.muli %scan3A_150, %mul3A_151 : i32
      %add3A_153 = arith.constant 0 : i32
      %add3A_154 = arith.addi %add3A_153, %mul3A_152 : i32
      %mul3A_155 = arith.constant 16 : i32
      %mul3A_156 = arith.muli %add3A_154, %mul3A_155 : i32
      %get3A = arith.constant 10 : i32
      %get3A_157 = arith.index_cast %get3A : i32 to index
      %get3A_158 = arith.index_cast %mul3A_156 : i32 to index
      %get3A_159 = tpu.vector_load %arg5[%get3A_157, %get3A_158] {strides = array<i32>} : memref<13x512xi32, #tpu.memory_space<vmem>>, vector<16xi32>,
      %mul3A_160 = arith.constant 208 : i32
      %mul3A_161 = arith.muli %add3A_154, %mul3A_160 : i32
      %add3A_162 = arith.constant 10 : i32
      %add3A_163 = arith.addi %mul3A_161, %add3A_162 : i32
      %add3A_164 = vector.broadcast %add3A_163 : i32 to vector<16xi32>
      %add3A_165 = arith.addi %add3A_164, %mul3A_7 : vector<16xi32>
      tpu.vector_store_idx %arg6[%add3A_165], %get3A_159 : memref<6656xi32, #tpu.memory_space<vmem>>[vector<16xi32>], vector<16xi32>,
    }
    %scan3A_61 = arith.constant 32 : i32
    %scan3A_62 = arith.constant 0 : i32
    %scan3A_63 = arith.constant 32 : i32
    %scan3A_64 = arith.addi %scan3A_62, %scan3A_63 : i32
    %scan3A_65 = arith.constant 1 : i32
    scf.for %scan3A_150 = %scan3A_62 to %scan3A_64 step %scan3A_65  : i32 {
      %mul3A_151 = arith.constant 1 : i32
      %mul3A_152 = arith.muli %scan3A_150, %mul3A_151 : i32
      %add3A_153 = arith.constant 0 : i32
      %add3A_154 = arith.addi %add3A_153, %mul3A_152 : i32
      %mul3A_155 = arith.constant 16 : i32
      %mul3A_156 = arith.muli %add3A_154, %mul3A_155 : i32
      %get3A = arith.constant 11 : i32
      %get3A_157 = arith.index_cast %get3A : i32 to index
      %get3A_158 = arith.index_cast %mul3A_156 : i32 to index
      %get3A_159 = tpu.vector_load %arg5[%get3A_157, %get3A_158] {strides = array<i32>} : memref<13x512xi32, #tpu.memory_space<vmem>>, vector<16xi32>,
      %mul3A_160 = arith.constant 208 : i32
      %mul3A_161 = arith.muli %add3A_154, %mul3A_160 : i32
      %add3A_162 = arith.constant 11 : i32
      %add3A_163 = arith.addi %mul3A_161, %add3A_162 : i32
      %add3A_164 = vector.broadcast %add3A_163 : i32 to vector<16xi32>
      %add3A_165 = arith.addi %add3A_164, %mul3A_7 : vector<16xi32>
      tpu.vector_store_idx %arg6[%add3A_165], %get3A_159 : memref<6656xi32, #tpu.memory_space<vmem>>[vector<16xi32>], vector<16xi32>,
    }
    %scan3A_66 = arith.constant 32 : i32
    %scan3A_67 = arith.constant 0 : i32
    %scan3A_68 = arith.constant 32 : i32
    %scan3A_69 = arith.addi %scan3A_67, %scan3A_68 : i32
    %scan3A_70 = arith.constant 1 : i32
    scf.for %scan3A_150 = %scan3A_67 to %scan3A_69 step %scan3A_70  : i32 {
      %mul3A_151 = arith.constant 1 : i32
      %mul3A_152 = arith.muli %scan3A_150, %mul3A_151 : i32
      %add3A_153 = arith.constant 0 : i32
      %add3A_154 = arith.addi %add3A_153, %mul3A_152 : i32
      %mul3A_155 = arith.constant 16 : i32
      %mul3A_156 = arith.muli %add3A_154, %mul3A_155 : i32
      %get3A = arith.constant 12 : i32
      %get3A_157 = arith.index_cast %get3A : i32 to index
      %get3A_158 = arith.index_cast %mul3A_156 : i32 to index
      %get3A_159 = tpu.vector_load %arg5[%get3A_157, %get3A_158] {strides = array<i32>} : memref<13x512xi32, #tpu.memory_space<vmem>>, vector<16xi32>,
      %mul3A_160 = arith.constant 208 : i32
      %mul3A_161 = arith.muli %add3A_154, %mul3A_160 : i32
      %add3A_162 = arith.constant 12 : i32
      %add3A_163 = arith.addi %mul3A_161, %add3A_162 : i32
      %add3A_164 = vector.broadcast %add3A_163 : i32 to vector<16xi32>
      %add3A_165 = arith.addi %add3A_164, %mul3A_7 : vector<16xi32>
      tpu.vector_store_idx %arg6[%add3A_165], %get3A_159 : memref<6656xi32, #tpu.memory_space<vmem>>[vector<16xi32>], vector<16xi32>,
    }
    %scan3A_71 = arith.constant 32 : i32
    %dma_start3A = arith.constant 0 : i32
    %dma_start3A_72 = tpu.memref_slice %arg6[%dma_start3A] : memref<6656xi32, #tpu.memory_space<vmem>> -> memref<1664xi32, #tpu.memory_space<vmem>>
    %dma_start3A_73 = arith.constant 0 : i32
    %dma_start3A_74 = arith.constant 0 : i32
    %dma_start3A_75 = tpu.memref_slice %arg2[%dma_start3A_73, %dma_start3A_74] : memref<1304576x16xf32, #tpu.memory_space<hbm>> -> memref<1304576x16xf32, #tpu.memory_space<hbm>>
    tpu.enqueue_indirect_dma source(%dma_start3A_75 : memref<1304576x16xf32, #tpu.memory_space<hbm>>) target(%arg7 : memref<1664x16xf32, #tpu.memory_space<vmem>>) offsets(%dma_start3A_72 : memref<1664xi32, #tpu.memory_space<vmem>>) semaphore(%arg9 : memref<!tpu.dma_semaphore, #tpu.memory_space<semaphore_mem>>)
    %dma_wait3A = arith.constant 0 : i32
    %dma_wait3A_76 = tpu.memref_slice %arg6[%dma_wait3A] : memref<6656xi32, #tpu.memory_space<vmem>> -> memref<1664xi32, #tpu.memory_space<vmem>>
    %dma_wait3A_77 = arith.constant 0 : i32
    %dma_wait3A_78 = arith.constant 0 : i32
    %dma_wait3A_79 = tpu.memref_slice %arg2[%dma_wait3A_77, %dma_wait3A_78] : memref<1304576x16xf32, #tpu.memory_space<hbm>> -> memref<1304576x16xf32, #tpu.memory_space<hbm>>
    tpu.wait_indirect_dma semaphore(%arg9 : memref<!tpu.dma_semaphore, #tpu.memory_space<semaphore_mem>>) src(%dma_wait3A_79 : memref<1304576x16xf32, #tpu.memory_space<hbm>>) dst(%arg7 : memref<1664x16xf32, #tpu.memory_space<vmem>>)
    %add3A_80 = arith.constant 0 : i32
    %add3A_81 = arith.addi %mul3A_2, %add3A_80 : i32
    %dma_start3A_82 = arith.constant 0 : i32
    %dma_start3A_83 = tpu.memref_slice %arg4[%add3A_81, %dma_start3A_82] : memref<212992x16xf32, #tpu.memory_space<hbm>> -> memref<1664x16xf32, #tpu.memory_space<hbm>>
    %dma_start3A_84 = arith.constant 0 : i32
    %dma_start3A_85 = tpu.memref_slice %arg4[%add3A_81, %dma_start3A_84] : memref<212992x16xf32, #tpu.memory_space<hbm>> -> memref<1664x16xf32, #tpu.memory_space<hbm>>
    tpu.enqueue_dma source(%arg7 : memref<1664x16xf32, #tpu.memory_space<vmem>>) target(%dma_start3A_85 : memref<1664x16xf32, #tpu.memory_space<hbm>>) target_semaphore(%arg10 : memref<!tpu.dma_semaphore, #tpu.memory_space<semaphore_mem>>)
    %dma_start3A_86 = arith.constant 1664 : i32
    %dma_start3A_87 = tpu.memref_slice %arg6[%dma_start3A_86] : memref<6656xi32, #tpu.memory_space<vmem>> -> memref<1664xi32, #tpu.memory_space<vmem>>
    %dma_start3A_88 = arith.constant 0 : i32
    %dma_start3A_89 = arith.constant 0 : i32
    %dma_start3A_90 = tpu.memref_slice %arg2[%dma_start3A_88, %dma_start3A_89] : memref<1304576x16xf32, #tpu.memory_space<hbm>> -> memref<1304576x16xf32, #tpu.memory_space<hbm>>
    tpu.enqueue_indirect_dma source(%dma_start3A_90 : memref<1304576x16xf32, #tpu.memory_space<hbm>>) target(%arg8 : memref<1664x16xf32, #tpu.memory_space<vmem>>) offsets(%dma_start3A_87 : memref<1664xi32, #tpu.memory_space<vmem>>) semaphore(%arg9 : memref<!tpu.dma_semaphore, #tpu.memory_space<semaphore_mem>>)
    %dma_wait3A_91 = arith.constant 1664 : i32
    %dma_wait3A_92 = tpu.memref_slice %arg6[%dma_wait3A_91] : memref<6656xi32, #tpu.memory_space<vmem>> -> memref<1664xi32, #tpu.memory_space<vmem>>
    %dma_wait3A_93 = arith.constant 0 : i32
    %dma_wait3A_94 = arith.constant 0 : i32
    %dma_wait3A_95 = tpu.memref_slice %arg2[%dma_wait3A_93, %dma_wait3A_94] : memref<1304576x16xf32, #tpu.memory_space<hbm>> -> memref<1304576x16xf32, #tpu.memory_space<hbm>>
    tpu.wait_indirect_dma semaphore(%arg9 : memref<!tpu.dma_semaphore, #tpu.memory_space<semaphore_mem>>) src(%dma_wait3A_95 : memref<1304576x16xf32, #tpu.memory_space<hbm>>) dst(%arg8 : memref<1664x16xf32, #tpu.memory_space<vmem>>)
    %add3A_96 = arith.constant 1664 : i32
    %add3A_97 = arith.addi %mul3A_2, %add3A_96 : i32
    %dma_start3A_98 = arith.constant 0 : i32
    %dma_start3A_99 = tpu.memref_slice %arg4[%add3A_97, %dma_start3A_98] : memref<212992x16xf32, #tpu.memory_space<hbm>> -> memref<1664x16xf32, #tpu.memory_space<hbm>>
    %dma_start3A_100 = arith.constant 0 : i32
    %dma_start3A_101 = tpu.memref_slice %arg4[%add3A_97, %dma_start3A_100] : memref<212992x16xf32, #tpu.memory_space<hbm>> -> memref<1664x16xf32, #tpu.memory_space<hbm>>
    tpu.enqueue_dma source(%arg8 : memref<1664x16xf32, #tpu.memory_space<vmem>>) target(%dma_start3A_101 : memref<1664x16xf32, #tpu.memory_space<hbm>>) target_semaphore(%arg11 : memref<!tpu.dma_semaphore, #tpu.memory_space<semaphore_mem>>)
    %dma_wait3A_102 = arith.constant 0 : i32
    %dma_wait3A_103 = tpu.memref_slice %arg4[%add3A_81, %dma_wait3A_102] : memref<212992x16xf32, #tpu.memory_space<hbm>> -> memref<1664x16xf32, #tpu.memory_space<hbm>>
    %dma_wait3A_104 = arith.constant 0 : i32
    %dma_wait3A_105 = tpu.memref_slice %arg4[%add3A_81, %dma_wait3A_104] : memref<212992x16xf32, #tpu.memory_space<hbm>> -> memref<1664x16xf32, #tpu.memory_space<hbm>>
    tpu.wait_dma2 semaphore(%arg10 : memref<!tpu.dma_semaphore, #tpu.memory_space<semaphore_mem>>) src(%arg7 : memref<1664x16xf32, #tpu.memory_space<vmem>>) dst(%dma_wait3A_105 : memref<1664x16xf32, #tpu.memory_space<hbm>>)
    %dma_start3A_106 = arith.constant 3328 : i32
    %dma_start3A_107 = tpu.memref_slice %arg6[%dma_start3A_106] : memref<6656xi32, #tpu.memory_space<vmem>> -> memref<1664xi32, #tpu.memory_space<vmem>>
    %dma_start3A_108 = arith.constant 0 : i32
    %dma_start3A_109 = arith.constant 0 : i32
    %dma_start3A_110 = tpu.memref_slice %arg2[%dma_start3A_108, %dma_start3A_109] : memref<1304576x16xf32, #tpu.memory_space<hbm>> -> memref<1304576x16xf32, #tpu.memory_space<hbm>>
    tpu.enqueue_indirect_dma source(%dma_start3A_110 : memref<1304576x16xf32, #tpu.memory_space<hbm>>) target(%arg7 : memref<1664x16xf32, #tpu.memory_space<vmem>>) offsets(%dma_start3A_107 : memref<1664xi32, #tpu.memory_space<vmem>>) semaphore(%arg9 : memref<!tpu.dma_semaphore, #tpu.memory_space<semaphore_mem>>)
    %dma_wait3A_111 = arith.constant 3328 : i32
    %dma_wait3A_112 = tpu.memref_slice %arg6[%dma_wait3A_111] : memref<6656xi32, #tpu.memory_space<vmem>> -> memref<1664xi32, #tpu.memory_space<vmem>>
    %dma_wait3A_113 = arith.constant 0 : i32
    %dma_wait3A_114 = arith.constant 0 : i32
    %dma_wait3A_115 = tpu.memref_slice %arg2[%dma_wait3A_113, %dma_wait3A_114] : memref<1304576x16xf32, #tpu.memory_space<hbm>> -> memref<1304576x16xf32, #tpu.memory_space<hbm>>
    tpu.wait_indirect_dma semaphore(%arg9 : memref<!tpu.dma_semaphore, #tpu.memory_space<semaphore_mem>>) src(%dma_wait3A_115 : memref<1304576x16xf32, #tpu.memory_space<hbm>>) dst(%arg7 : memref<1664x16xf32, #tpu.memory_space<vmem>>)
    %add3A_116 = arith.constant 3328 : i32
    %add3A_117 = arith.addi %mul3A_2, %add3A_116 : i32
    %dma_start3A_118 = arith.constant 0 : i32
    %dma_start3A_119 = tpu.memref_slice %arg4[%add3A_117, %dma_start3A_118] : memref<212992x16xf32, #tpu.memory_space<hbm>> -> memref<1664x16xf32, #tpu.memory_space<hbm>>
    %dma_start3A_120 = arith.constant 0 : i32
    %dma_start3A_121 = tpu.memref_slice %arg4[%add3A_117, %dma_start3A_120] : memref<212992x16xf32, #tpu.memory_space<hbm>> -> memref<1664x16xf32, #tpu.memory_space<hbm>>
    tpu.enqueue_dma source(%arg7 : memref<1664x16xf32, #tpu.memory_space<vmem>>) target(%dma_start3A_121 : memref<1664x16xf32, #tpu.memory_space<hbm>>) target_semaphore(%arg10 : memref<!tpu.dma_semaphore, #tpu.memory_space<semaphore_mem>>)
    %dma_wait3A_122 = arith.constant 0 : i32
    %dma_wait3A_123 = tpu.memref_slice %arg4[%add3A_97, %dma_wait3A_122] : memref<212992x16xf32, #tpu.memory_space<hbm>> -> memref<1664x16xf32, #tpu.memory_space<hbm>>
    %dma_wait3A_124 = arith.constant 0 : i32
    %dma_wait3A_125 = tpu.memref_slice %arg4[%add3A_97, %dma_wait3A_124] : memref<212992x16xf32, #tpu.memory_space<hbm>> -> memref<1664x16xf32, #tpu.memory_space<hbm>>
    tpu.wait_dma2 semaphore(%arg11 : memref<!tpu.dma_semaphore, #tpu.memory_space<semaphore_mem>>) src(%arg8 : memref<1664x16xf32, #tpu.memory_space<vmem>>) dst(%dma_wait3A_125 : memref<1664x16xf32, #tpu.memory_space<hbm>>)
    %dma_start3A_126 = arith.constant 4992 : i32
    %dma_start3A_127 = tpu.memref_slice %arg6[%dma_start3A_126] : memref<6656xi32, #tpu.memory_space<vmem>> -> memref<1664xi32, #tpu.memory_space<vmem>>
    %dma_start3A_128 = arith.constant 0 : i32
    %dma_start3A_129 = arith.constant 0 : i32
    %dma_start3A_130 = tpu.memref_slice %arg2[%dma_start3A_128, %dma_start3A_129] : memref<1304576x16xf32, #tpu.memory_space<hbm>> -> memref<1304576x16xf32, #tpu.memory_space<hbm>>
    tpu.enqueue_indirect_dma source(%dma_start3A_130 : memref<1304576x16xf32, #tpu.memory_space<hbm>>) target(%arg8 : memref<1664x16xf32, #tpu.memory_space<vmem>>) offsets(%dma_start3A_127 : memref<1664xi32, #tpu.memory_space<vmem>>) semaphore(%arg9 : memref<!tpu.dma_semaphore, #tpu.memory_space<semaphore_mem>>)
    %dma_wait3A_131 = arith.constant 4992 : i32
    %dma_wait3A_132 = tpu.memref_slice %arg6[%dma_wait3A_131] : memref<6656xi32, #tpu.memory_space<vmem>> -> memref<1664xi32, #tpu.memory_space<vmem>>
    %dma_wait3A_133 = arith.constant 0 : i32
    %dma_wait3A_134 = arith.constant 0 : i32
    %dma_wait3A_135 = tpu.memref_slice %arg2[%dma_wait3A_133, %dma_wait3A_134] : memref<1304576x16xf32, #tpu.memory_space<hbm>> -> memref<1304576x16xf32, #tpu.memory_space<hbm>>
    tpu.wait_indirect_dma semaphore(%arg9 : memref<!tpu.dma_semaphore, #tpu.memory_space<semaphore_mem>>) src(%dma_wait3A_135 : memref<1304576x16xf32, #tpu.memory_space<hbm>>) dst(%arg8 : memref<1664x16xf32, #tpu.memory_space<vmem>>)
    %add3A_136 = arith.constant 4992 : i32
    %add3A_137 = arith.addi %mul3A_2, %add3A_136 : i32
    %dma_start3A_138 = arith.constant 0 : i32
    %dma_start3A_139 = tpu.memref_slice %arg4[%add3A_137, %dma_start3A_138] : memref<212992x16xf32, #tpu.memory_space<hbm>> -> memref<1664x16xf32, #tpu.memory_space<hbm>>
    %dma_start3A_140 = arith.constant 0 : i32
    %dma_start3A_141 = tpu.memref_slice %arg4[%add3A_137, %dma_start3A_140] : memref<212992x16xf32, #tpu.memory_space<hbm>> -> memref<1664x16xf32, #tpu.memory_space<hbm>>
    tpu.enqueue_dma source(%arg8 : memref<1664x16xf32, #tpu.memory_space<vmem>>) target(%dma_start3A_141 : memref<1664x16xf32, #tpu.memory_space<hbm>>) target_semaphore(%arg11 : memref<!tpu.dma_semaphore, #tpu.memory_space<semaphore_mem>>)
    %dma_wait3A_142 = arith.constant 0 : i32
    %dma_wait3A_143 = tpu.memref_slice %arg4[%add3A_117, %dma_wait3A_142] : memref<212992x16xf32, #tpu.memory_space<hbm>> -> memref<1664x16xf32, #tpu.memory_space<hbm>>
    %dma_wait3A_144 = arith.constant 0 : i32
    %dma_wait3A_145 = tpu.memref_slice %arg4[%add3A_117, %dma_wait3A_144] : memref<212992x16xf32, #tpu.memory_space<hbm>> -> memref<1664x16xf32, #tpu.memory_space<hbm>>
    tpu.wait_dma2 semaphore(%arg10 : memref<!tpu.dma_semaphore, #tpu.memory_space<semaphore_mem>>) src(%arg7 : memref<1664x16xf32, #tpu.memory_space<vmem>>) dst(%dma_wait3A_145 : memref<1664x16xf32, #tpu.memory_space<hbm>>)
    %dma_wait3A_146 = arith.constant 0 : i32
    %dma_wait3A_147 = tpu.memref_slice %arg4[%add3A_137, %dma_wait3A_146] : memref<212992x16xf32, #tpu.memory_space<hbm>> -> memref<1664x16xf32, #tpu.memory_space<hbm>>
    %dma_wait3A_148 = arith.constant 0 : i32
    %dma_wait3A_149 = tpu.memref_slice %arg4[%add3A_137, %dma_wait3A_148] : memref<212992x16xf32, #tpu.memory_space<hbm>> -> memref<1664x16xf32, #tpu.memory_space<hbm>>
    tpu.wait_dma2 semaphore(%arg11 : memref<!tpu.dma_semaphore, #tpu.memory_space<semaphore_mem>>) src(%arg8 : memref<1664x16xf32, #tpu.memory_space<vmem>>) dst(%dma_wait3A_149 : memref<1664x16xf32, #tpu.memory_space<hbm>>)
    return
  }
}

module attributes {stable_mosaic.version = 14 : i64} {
  func.func @_xpose_body(%arg0: i32, %arg1: memref<1x16x100352xf32, #tpu.memory_space<vmem>>, %arg2: memref<1x12544x128xf32, #tpu.memory_space<vmem>>) attributes {dimension_semantics = [#tpu.dimension_semantics<arbitrary>], iteration_bounds = array<i64: 13>, scalar_prefetch = 0 : i64, scratch_operands = 0 : i64, tpu.core_type = #tpu.core_type<tc>, window_params = [{transform_indices = @transform_0, window_bounds = array<i64: 1, 16, 100352>}, {transform_indices = @transform_1, window_bounds = array<i64: 1, 12544, 128>}]} {
    %get3A = arith.constant 0 : index
    %get3A_0 = arith.constant 0 : index
    %get3A_1 = arith.constant 0 : index
    %get3A_2 = vector.load %arg1[%get3A, %get3A_0, %get3A_1] : memref<1x16x100352xf32, #tpu.memory_space<vmem>>, vector<1x16x100352xf32>
    %get3A_3 = vector.shape_cast %get3A_2 : vector<1x16x100352xf32> to vector<16x100352xf32>
    %iota3A = tpu.iota {dimensions = array<i32: 1>} : vector<16x100352xi32>
    %lt3A = arith.constant 100000 : i32
    %lt3A_4 = vector.broadcast %lt3A : i32 to vector<16x100352xi32>
    %lt3A_5 = arith.cmpi slt, %iota3A, %lt3A_4 : vector<16x100352xi32>
    %jit3A = arith.constant 0.000000e+00 : f32
    %broadcast_in_dim3A = vector.broadcast %jit3A : f32 to vector<16x100352xf32>
    %select_n3A = arith.select %lt3A_5, %get3A_3, %broadcast_in_dim3A : vector<16x100352xi1>, vector<16x100352xf32>
    %slice3A = vector.extract_strided_slice %select_n3A {offsets = [0, 0], sizes = [16, 12544], strides = [1, 1]} : vector<16x100352xf32> to vector<16x12544xf32>
    %slice3A_6 = vector.extract_strided_slice %select_n3A {offsets = [0, 12544], sizes = [16, 12544], strides = [1, 1]} : vector<16x100352xf32> to vector<16x12544xf32>
    %slice3A_7 = vector.extract_strided_slice %select_n3A {offsets = [0, 25088], sizes = [16, 12544], strides = [1, 1]} : vector<16x100352xf32> to vector<16x12544xf32>
    %slice3A_8 = vector.extract_strided_slice %select_n3A {offsets = [0, 37632], sizes = [16, 12544], strides = [1, 1]} : vector<16x100352xf32> to vector<16x12544xf32>
    %slice3A_9 = vector.extract_strided_slice %select_n3A {offsets = [0, 50176], sizes = [16, 12544], strides = [1, 1]} : vector<16x100352xf32> to vector<16x12544xf32>
    %slice3A_10 = vector.extract_strided_slice %select_n3A {offsets = [0, 62720], sizes = [16, 12544], strides = [1, 1]} : vector<16x100352xf32> to vector<16x12544xf32>
    %slice3A_11 = vector.extract_strided_slice %select_n3A {offsets = [0, 75264], sizes = [16, 12544], strides = [1, 1]} : vector<16x100352xf32> to vector<16x12544xf32>
    %slice3A_12 = vector.extract_strided_slice %select_n3A {offsets = [0, 87808], sizes = [16, 12544], strides = [1, 1]} : vector<16x100352xf32> to vector<16x12544xf32>
    %concatenate3A = tpu.concatenate %slice3A, %slice3A_6, %slice3A_7, %slice3A_8, %slice3A_9, %slice3A_10, %slice3A_11, %slice3A_12 in 0 : vector<16x12544xf32>, vector<16x12544xf32>, vector<16x12544xf32>, vector<16x12544xf32>, vector<16x12544xf32>, vector<16x12544xf32>, vector<16x12544xf32>, vector<16x12544xf32> -> vector<128x12544xf32>
    %transpose3A = tpu.transpose %concatenate3A, [1, 0] : vector<128x12544xf32> -> vector<12544x128xf32>
    %broadcast_in_dim3A_13 = vector.shape_cast %transpose3A : vector<12544x128xf32> to vector<1x12544x128xf32>
    %swap3A = arith.constant 0 : index
    %swap3A_14 = arith.constant 0 : index
    %swap3A_15 = arith.constant 0 : index
    %swap3A_16 = vector.load %arg2[%swap3A, %swap3A_14, %swap3A_15] : memref<1x12544x128xf32, #tpu.memory_space<vmem>>, vector<1x12544x128xf32>
    tpu.vector_store %arg2[%swap3A, %swap3A_14, %swap3A_15], %broadcast_in_dim3A_13 {strides = array<i32>} : memref<1x12544x128xf32, #tpu.memory_space<vmem>>, vector<1x12544x128xf32>,
    return
  }
  func.func @transform_0(%arg0: i32) -> (i32, i32, i32) {
    %add3A = arith.constant 0 : i32
    %add3A_0 = arith.addi %add3A, %arg0 : i32
    %c0_i32 = arith.constant 0 : i32
    %c0_i32_1 = arith.constant 0 : i32
    %c0_i32_2 = arith.constant 0 : i32
    return %add3A_0, %c0_i32, %c0_i32_1 : i32, i32, i32
  }
  func.func @transform_1(%arg0: i32) -> (i32, i32, i32) {
    %c0_i32 = arith.constant 0 : i32
    %c0_i32_0 = arith.constant 0 : i32
    %c0_i32_1 = arith.constant 0 : i32
    return %arg0, %c0_i32, %c0_i32_0 : i32, i32, i32
  }
}

module attributes {stable_mosaic.version = 14 : i64} {
  func.func @_xpose_body(%arg0: i32, %arg1: memref<1x16x100352xf32, #tpu.memory_space<vmem>>, %arg2: memref<1x12544x128xf32, #tpu.memory_space<vmem>>) attributes {dimension_semantics = [#tpu.dimension_semantics<arbitrary>], iteration_bounds = array<i64: 13>, scalar_prefetch = 0 : i64, scratch_operands = 0 : i64, tpu.core_type = #tpu.core_type<tc>, window_params = [{transform_indices = @transform_0, window_bounds = array<i64: 1, 16, 100352>}, {transform_indices = @transform_1, window_bounds = array<i64: 1, 12544, 128>}]} {
    %get3A = arith.constant 0 : index
    %get3A_0 = arith.constant 0 : index
    %get3A_1 = arith.constant 0 : index
    %get3A_2 = vector.load %arg1[%get3A, %get3A_0, %get3A_1] : memref<1x16x100352xf32, #tpu.memory_space<vmem>>, vector<1x16x100352xf32>
    %get3A_3 = vector.shape_cast %get3A_2 : vector<1x16x100352xf32> to vector<16x100352xf32>
    %iota3A = tpu.iota {dimensions = array<i32: 1>} : vector<16x100352xi32>
    %lt3A = arith.constant 100000 : i32
    %lt3A_4 = vector.broadcast %lt3A : i32 to vector<16x100352xi32>
    %lt3A_5 = arith.cmpi slt, %iota3A, %lt3A_4 : vector<16x100352xi32>
    %jit3A = arith.constant 0.000000e+00 : f32
    %broadcast_in_dim3A = vector.broadcast %jit3A : f32 to vector<16x100352xf32>
    %select_n3A = arith.select %lt3A_5, %get3A_3, %broadcast_in_dim3A : vector<16x100352xi1>, vector<16x100352xf32>
    %slice3A = vector.extract_strided_slice %select_n3A {offsets = [0, 0], sizes = [16, 12544], strides = [1, 1]} : vector<16x100352xf32> to vector<16x12544xf32>
    %slice3A_6 = vector.extract_strided_slice %select_n3A {offsets = [0, 12544], sizes = [16, 12544], strides = [1, 1]} : vector<16x100352xf32> to vector<16x12544xf32>
    %slice3A_7 = vector.extract_strided_slice %select_n3A {offsets = [0, 25088], sizes = [16, 12544], strides = [1, 1]} : vector<16x100352xf32> to vector<16x12544xf32>
    %slice3A_8 = vector.extract_strided_slice %select_n3A {offsets = [0, 37632], sizes = [16, 12544], strides = [1, 1]} : vector<16x100352xf32> to vector<16x12544xf32>
    %slice3A_9 = vector.extract_strided_slice %select_n3A {offsets = [0, 50176], sizes = [16, 12544], strides = [1, 1]} : vector<16x100352xf32> to vector<16x12544xf32>
    %slice3A_10 = vector.extract_strided_slice %select_n3A {offsets = [0, 62720], sizes = [16, 12544], strides = [1, 1]} : vector<16x100352xf32> to vector<16x12544xf32>
    %slice3A_11 = vector.extract_strided_slice %select_n3A {offsets = [0, 75264], sizes = [16, 12544], strides = [1, 1]} : vector<16x100352xf32> to vector<16x12544xf32>
    %slice3A_12 = vector.extract_strided_slice %select_n3A {offsets = [0, 87808], sizes = [16, 12544], strides = [1, 1]} : vector<16x100352xf32> to vector<16x12544xf32>
    %concatenate3A = tpu.concatenate %slice3A, %slice3A_6, %slice3A_7, %slice3A_8, %slice3A_9, %slice3A_10, %slice3A_11, %slice3A_12 in 0 : vector<16x12544xf32>, vector<16x12544xf32>, vector<16x12544xf32>, vector<16x12544xf32>, vector<16x12544xf32>, vector<16x12544xf32>, vector<16x12544xf32>, vector<16x12544xf32> -> vector<128x12544xf32>
    %transpose3A = tpu.transpose %concatenate3A, [1, 0] : vector<128x12544xf32> -> vector<12544x128xf32>
    %broadcast_in_dim3A_13 = vector.shape_cast %transpose3A : vector<12544x128xf32> to vector<1x12544x128xf32>
    %swap3A = arith.constant 0 : index
    %swap3A_14 = arith.constant 0 : index
    %swap3A_15 = arith.constant 0 : index
    %swap3A_16 = vector.load %arg2[%swap3A, %swap3A_14, %swap3A_15] : memref<1x12544x128xf32, #tpu.memory_space<vmem>>, vector<1x12544x128xf32>
    tpu.vector_store %arg2[%swap3A, %swap3A_14, %swap3A_15], %broadcast_in_dim3A_13 {strides = array<i32>} : memref<1x12544x128xf32, #tpu.memory_space<vmem>>, vector<1x12544x128xf32>,
    return
  }
  func.func @transform_0(%arg0: i32) -> (i32, i32, i32) {
    %add3A = arith.constant 13 : i32
    %add3A_0 = arith.addi %add3A, %arg0 : i32
    %c0_i32 = arith.constant 0 : i32
    %c0_i32_1 = arith.constant 0 : i32
    %c0_i32_2 = arith.constant 0 : i32
    return %add3A_0, %c0_i32, %c0_i32_1 : i32, i32, i32
  }
  func.func @transform_1(%arg0: i32) -> (i32, i32, i32) {
    %c0_i32 = arith.constant 0 : i32
    %c0_i32_0 = arith.constant 0 : i32
    %c0_i32_1 = arith.constant 0 : i32
    return %arg0, %c0_i32, %c0_i32_0 : i32, i32, i32
  }
}

module attributes {stable_mosaic.version = 14 : i64} {
  func.func @_mlp_body(%arg0: i32, %arg1: memref<200x2048xf32, #tpu.memory_space<vmem>>, %arg2: memref<1x2048xf32, #tpu.memory_space<vmem>>, %arg3: memref<208x2048xf32, #tpu.memory_space<vmem>>, %arg4: memref<208x2048xf32, #tpu.memory_space<vmem>>, %arg5: memref<20x617xf32, #tpu.memory_space<vmem>>, %arg6: memref<20x1xf32, #tpu.memory_space<vmem>>, %arg7: memref<1x20xf32, #tpu.memory_space<vmem>>, %arg8: memref<1x1xf32, #tpu.memory_space<vmem>>, %arg9: memref<617x2048xf32, #tpu.memory_space<vmem>>, %arg10: memref<1x2048xf32, #tpu.memory_space<vmem>>) attributes {dimension_semantics = [#tpu.dimension_semantics<arbitrary>], iteration_bounds = array<i64: 8>, scalar_prefetch = 0 : i64, scratch_operands = 0 : i64, tpu.core_type = #tpu.core_type<tc>, window_params = [{transform_indices = @transform_0, window_bounds = array<i64: 200, 2048>}, {transform_indices = @transform_1, window_bounds = array<i64: 1, 2048>}, {transform_indices = @transform_2, window_bounds = array<i64: 208, 2048>}, {transform_indices = @transform_3, window_bounds = array<i64: 208, 2048>}, {pipeline_mode = #tpu.pipeline_mode<synchronous>, transform_indices = @transform_4, window_bounds = array<i64: 20, 617>}, {pipeline_mode = #tpu.pipeline_mode<synchronous>, transform_indices = @transform_5, window_bounds = array<i64: 20, 1>}, {pipeline_mode = #tpu.pipeline_mode<synchronous>, transform_indices = @transform_6, window_bounds = array<i64: 1, 20>}, {pipeline_mode = #tpu.pipeline_mode<synchronous>, transform_indices = @transform_7, window_bounds = array<i64: 1, 1>}, {transform_indices = @transform_8, window_bounds = array<i64: 617, 2048>}, {transform_indices = @transform_9, window_bounds = array<i64: 1, 2048>}]} {
    %get3A = arith.constant 0 : index
    %get3A_0 = arith.constant 0 : index
    %get3A_1 = vector.load %arg1[%get3A, %get3A_0] : memref<200x2048xf32, #tpu.memory_space<vmem>>, vector<200x2048xf32>
    %get3A_2 = arith.constant 0 : index
    %get3A_3 = arith.constant 0 : index
    %get3A_4 = vector.load %arg2[%get3A_2, %get3A_3] : memref<1x2048xf32, #tpu.memory_space<vmem>>, vector<1x2048xf32>
    %get3A_5 = arith.constant 0 : index
    %get3A_6 = arith.constant 0 : index
    %get3A_7 = vector.load %arg3[%get3A_5, %get3A_6] : memref<208x2048xf32, #tpu.memory_space<vmem>>, vector<208x2048xf32>
    %get3A_8 = arith.constant 0 : index
    %get3A_9 = arith.constant 0 : index
    %get3A_10 = vector.load %arg4[%get3A_8, %get3A_9] : memref<208x2048xf32, #tpu.memory_space<vmem>>, vector<208x2048xf32>
    %concatenate3A = tpu.concatenate %get3A_1, %get3A_4, %get3A_7, %get3A_10 in 0 : vector<200x2048xf32>, vector<1x2048xf32>, vector<208x2048xf32>, vector<208x2048xf32> -> vector<617x2048xf32>
    %swap3A = arith.constant 0 : index
    %swap3A_11 = arith.constant 0 : index
    %swap3A_12 = vector.load %arg9[%swap3A, %swap3A_11] : memref<617x2048xf32, #tpu.memory_space<vmem>>, vector<617x2048xf32>
    tpu.vector_store %arg9[%swap3A, %swap3A_11], %concatenate3A {strides = array<i32>} : memref<617x2048xf32, #tpu.memory_space<vmem>>, vector<617x2048xf32>,
    %get3A_13 = arith.constant 0 : index
    %get3A_14 = arith.constant 0 : index
    %get3A_15 = vector.load %arg5[%get3A_13, %get3A_14] : memref<20x617xf32, #tpu.memory_space<vmem>>, vector<20x617xf32>
    %dot_general3A = arith.constant dense<0.000000e+00> : vector<20x2048xf32>
    %dot_general3A_16 = tpu.matmul %get3A_15, %concatenate3A, %dot_general3A {dimension_numbers = #tpu.dot_dimension_numbers<[1], [0], [0], [1], [0, 0, 1, 1], [], []>, transpose_lhs_hint = false} : vector<20x617xf32>, vector<617x2048xf32>, vector<20x2048xf32> -> vector<20x2048xf32>
    %get3A_17 = arith.constant 0 : index
    %get3A_18 = arith.constant 0 : index
    %get3A_19 = vector.load %arg6[%get3A_17, %get3A_18] : memref<20x1xf32, #tpu.memory_space<vmem>>, vector<20x1xf32>
    %add3A = vector.broadcast %get3A_19 : vector<20x1xf32> to vector<20x2048xf32>
    %add3A_20 = arith.addf %dot_general3A_16, %add3A : vector<20x2048xf32>
    %max3A = arith.constant 0.000000e+00 : f32
    %max3A_21 = vector.broadcast %max3A : f32 to vector<20x2048xf32>
    %max3A_22 = arith.maximumf %add3A_20, %max3A_21 : vector<20x2048xf32>
    %get3A_23 = arith.constant 0 : index
    %get3A_24 = arith.constant 0 : index
    %get3A_25 = vector.load %arg7[%get3A_23, %get3A_24] : memref<1x20xf32, #tpu.memory_space<vmem>>, vector<1x20xf32>
    %dot_general3A_26 = arith.constant dense<0.000000e+00> : vector<1x2048xf32>
    %dot_general3A_27 = tpu.matmul %get3A_25, %max3A_22, %dot_general3A_26 {dimension_numbers = #tpu.dot_dimension_numbers<[1], [0], [0], [1], [0, 0, 1, 1], [], []>, transpose_lhs_hint = false} : vector<1x20xf32>, vector<20x2048xf32>, vector<1x2048xf32> -> vector<1x2048xf32>
    %get3A_28 = arith.constant 0 : index
    %get3A_29 = arith.constant 0 : index
    %get3A_30 = vector.load %arg8[%get3A_28, %get3A_29] : memref<1x1xf32, #tpu.memory_space<vmem>>, vector<1x1xf32>
    %add3A_31 = vector.broadcast %get3A_30 : vector<1x1xf32> to vector<1x2048xf32>
    %add3A_32 = arith.addf %dot_general3A_27, %add3A_31 : vector<1x2048xf32>
    %neg3A = arith.constant 0.000000e+00 : f32
    %neg3A_33 = vector.broadcast %neg3A : f32 to vector<1x2048xf32>
    %neg3A_34 = arith.subf %neg3A_33, %add3A_32 : vector<1x2048xf32>
    %exp3A = math.exp %neg3A_34 : vector<1x2048xf32>
    %add3A_35 = arith.constant 1.000000e+00 : f32
    %add3A_36 = vector.broadcast %add3A_35 : f32 to vector<1x2048xf32>
    %add3A_37 = arith.addf %add3A_36, %exp3A : vector<1x2048xf32>
    %div3A = arith.constant 1.000000e+00 : f32
    %div3A_38 = vector.broadcast %div3A : f32 to vector<1x2048xf32>
    %div3A_39 = arith.divf %div3A_38, %add3A_37 : vector<1x2048xf32>
    %swap3A_40 = arith.constant 0 : index
    %swap3A_41 = arith.constant 0 : index
    %swap3A_42 = vector.load %arg10[%swap3A_40, %swap3A_41] : memref<1x2048xf32, #tpu.memory_space<vmem>>, vector<1x2048xf32>
    tpu.vector_store %arg10[%swap3A_40, %swap3A_41], %div3A_39 {strides = array<i32>} : memref<1x2048xf32, #tpu.memory_space<vmem>>, vector<1x2048xf32>,
    return
  }
  func.func @transform_0(%arg0: i32) -> (i32, i32) {
    %c0_i32 = arith.constant 0 : i32
    %c0_i32_0 = arith.constant 0 : i32
    return %c0_i32, %arg0 : i32, i32
  }
  func.func @transform_1(%arg0: i32) -> (i32, i32) {
    %c0_i32 = arith.constant 0 : i32
    %c0_i32_0 = arith.constant 0 : i32
    return %c0_i32, %arg0 : i32, i32
  }
  func.func @transform_2(%arg0: i32) -> (i32, i32) {
    %c0_i32 = arith.constant 0 : i32
    %c0_i32_0 = arith.constant 0 : i32
    return %c0_i32, %arg0 : i32, i32
  }
  func.func @transform_3(%arg0: i32) -> (i32, i32) {
    %c0_i32 = arith.constant 0 : i32
    %c0_i32_0 = arith.constant 0 : i32
    return %c0_i32, %arg0 : i32, i32
  }
  func.func @transform_4(%arg0: i32) -> (i32, i32) {
    %c0_i32 = arith.constant 0 : i32
    %c0_i32_0 = arith.constant 0 : i32
    %c0_i32_1 = arith.constant 0 : i32
    return %c0_i32, %c0_i32_0 : i32, i32
  }
  func.func @transform_5(%arg0: i32) -> (i32, i32) {
    %c0_i32 = arith.constant 0 : i32
    %c0_i32_0 = arith.constant 0 : i32
    %c0_i32_1 = arith.constant 0 : i32
    return %c0_i32, %c0_i32_0 : i32, i32
  }
  func.func @transform_6(%arg0: i32) -> (i32, i32) {
    %c0_i32 = arith.constant 0 : i32
    %c0_i32_0 = arith.constant 0 : i32
    %c0_i32_1 = arith.constant 0 : i32
    return %c0_i32, %c0_i32_0 : i32, i32
  }
  func.func @transform_7(%arg0: i32) -> (i32, i32) {
    %c0_i32 = arith.constant 0 : i32
    %c0_i32_0 = arith.constant 0 : i32
    %c0_i32_1 = arith.constant 0 : i32
    return %c0_i32, %c0_i32_0 : i32, i32
  }
  func.func @transform_8(%arg0: i32) -> (i32, i32) {
    %c0_i32 = arith.constant 0 : i32
    %c0_i32_0 = arith.constant 0 : i32
    return %c0_i32, %arg0 : i32, i32
  }
  func.func @transform_9(%arg0: i32) -> (i32, i32) {
    %c0_i32 = arith.constant 0 : i32
    %c0_i32_0 = arith.constant 0 : i32
    return %c0_i32, %arg0 : i32, i32
  }
}

</mosaic_0001>

<sc_bundles>
// kernel: kernel.10.cloned.1.call-start
scs
__scs_entry_jumppad:
0x0: {  	(pc) =	sbr.rel $0x88, $3  }
0x1: {  	(tag) =	ssettag $0x0;
	lr =	simm.s32 $0x1  }
0x2: {  	[smem:$0x3F99] =	sst lr;
	_ =	strace $0xD0000000  }
0x3: {  	_ = 	snop  }
0x4: {  	_ = 	snop  }
0x5: {  	_ = 	snop  }
0x6: {  	_ = 	snop  }
0x7: {  	_ = 	snop  }
__scs_overlays_trampoline_lowered:
0x8: {  	[smem:$0x3FA8] =	sst s0  }
0x9: {  	[smem:$0x3FA9] =	sst s1  }
0xa: {  	[smem:$0x3FAA] =	sst s2  }
0xb: {  	[smem:$0x3FAB] =	sst s3  }
0xc: {  	[smem:$0x3FAC] =	sst s4  }
0xd: {  	[smem:$0x3FAD] =	sst s5  }
0xe: {  	[smem:$0x3FAE] =	sst s6  }
0xf: {  	[smem:$0x3FAF] =	sst s7  }
0x10: {  	[smem:$0x3FB0] =	sst s8  }
0x11: {  	[smem:$0x3FB1] =	sst s9;
	s0 =	simm.s32 @!p0 $0x0  }
0x12: {  	s1 =	sld [smem:$0x3F97];
	s0 =	simm.s32 @p0 $0x1  }
0x13: {  	[smem:$0x3FB2] =	sst s0;
	s0 =	simm.s32 @!p1 $0x0  }
0x14: {  	s2 =	sld [smem:$0x3F96];
	s0 =	simm.s32 @p1 $0x1  }
0x15: {  	[smem:$0x3FB3] =	sst s0;
	s0 =	simm.s32 @!p2 $0x0  }
0x16: {  	s3 =	sld [smem:$0x3FDB];
	s0 =	simm.s32 @p2 $0x1  }
0x17: {  	s4 =	simm.s32 $0x1BF5;
	[smem:$0x3FB5] =	sst s0  }
0x18: {  	s0 =	sld [smem:$0x3F98];
	_ =	swait.ge [sflag:s4], $0x0  }
0x19: {  	s7 =	sld [smem:$0x3F99]  }
0x1a: {  	s8 =	sadd.s32 $0xFFFFE003, lr  }
0x1b: {  	s9 =	sadd.s32 $0xFFFFFEF7, lr;
	s5 =	simm.s32 $0xFFFFFFFF;
	p2 =	slt.u32 s8, $0xFFFFF086  }
0x1c: {  	p1 =	slt.u32 s9, $0xF7A;
	s5 =	simm.s32 @!p2 $0x0  }
0x1d: {  	s5 =	simm.s32 @p1 $0x1;
	p0 =	seq.s32 s7, s2  }
0x1e: {  	s7 =	smul.u32 @!p0 $0xF7A, s2;
	p2 =	seq.s32 @!p0 s5, $0x0  }
0x1f: {  	s9 =	smul.u32 $0xF7A, s1;
	s8 =	simm.s32 @!p0 $0x1BF5;
	p2 =	por !p2, p0  }
0x20: {  	[sflag:s8] =	ssyncset.s32 @!p0 $0xFFFFF086;
	s6 =	sadd.s32 @!p0 s3, s7;
	s7 =	simm.s32 @!p0 $0x108  }
0x21: {  	s3 =	sadd.s32 s3, s9;
	s6 =	sadd.s32 @!p0 $0x88, s6;
	s7 =	simm.s32 @p2 $0x1082  }
0x22: {  	[simem:s7], [sflag:s8] =	dma.local @!p0 [hbm:s6], $0xF7A  }
0x23: {  	s9 =	sor.u32 $0xD0000000, s2;
	s6 =	simm.s32 $0x108;
	_ =	swait.ge @!p0 [sflag:s8], $0x0  }
0x24: {  	s3 =	sadd.s32 $0x88, s3;
	s6 =	simm.s32 @!p1 $0x1082;
	[sflag:s4] =	ssyncset.s32 $0xFFFFF086  }
0x25: {  	[simem:s6], [sflag:s4] =	dma.local [hbm:s3], $0xF7A  }
0x26: {  	[smem:$0x3F99] =	sst s1;
	(tag) =	ssettag s2;
	_ =	strace s9  }
0x27: {  	s1 =	sld [smem:$0x3FA9]  }
0x28: {  	s2 =	sld [smem:$0x3FAA]  }
0x29: {  	s4 =	sld [smem:$0x3FAC]  }
0x2a: {  	p0 =	seq.s32 s5, $0x0;
	s5 =	sld [smem:$0x3FAD]  }
0x2b: {  	s6 =	sld [smem:$0x3FAE]  }
0x2c: {  	s7 =	sld [smem:$0x3FAF]  }
0x2d: {  	s3 =	simm.s32 $0x108;
	s8 =	sld [smem:$0x3FB0]  }
0x2e: {  	s3 =	simm.s32 @!p0 $0x1082;
	s9 =	sld [smem:$0x3FB1]  }
0x2f: {  	lr =	sadd.s32 s0, s3;
	s0 =	sld [smem:$0x3FA8]  }
0x30: {  	s3 =	sld [smem:$0x3FAB]  }
0x31: {  	[smem:$0x3FB4] =	sst s10  }
0x32: {  	s10 =	sld [smem:$0x3FB2];
	_ =	sdelay $0x3  }
0x33: {  	p0 =	seq.s32 s10, $0x1;
	s10 =	sld [smem:$0x3FB4];
	_ =	sdelay $0x3  }
0x34: {  	[smem:$0x3FB4] =	sst s10  }
0x35: {  	s10 =	sld [smem:$0x3FB3];
	_ =	sdelay $0x3  }
0x36: {  	p1 =	seq.s32 s10, $0x1;
	s10 =	sld [smem:$0x3FB4];
	_ =	sdelay $0x3  }
0x37: {  	[smem:$0x3FB4] =	sst s10  }
0x38: {  	s10 =	sld [smem:$0x3FB5]  }
0x39: {  	_ = 	snop;
	(pc) =	sbr.ind lr, $3  }
0x3a: {  	_ = 	snop  }
0x3b: {  	_ = 	snop  }
0x3c: {  	p2 =	seq.s32 s10, $0x1;
	s10 =	sld [smem:$0x3FB4]  }
0x3d: {  	_ =	shalt  }
0x3e: {  	_ =	shalt  }
0x3f: {  	_ =	shalt  }
0x40: {  	_ =	shalt  }
0x41: {  	_ =	shalt  }
0x42: {  	_ =	shalt  }
0x43: {  	_ =	shalt  }
0x44: {  	_ =	shalt  }
0x45: {  	_ =	shalt  }
0x46: {  	_ =	shalt  }
0x47: {  	_ =	shalt  }
0x48: {  	_ =	shalt  }
0x49: {  	_ =	shalt  }
0x4a: {  	_ =	shalt  }
0x4b: {  	_ =	shalt  }
0x4c: {  	_ =	shalt  }
0x4d: {  	_ =	shalt  }
0x4e: {  	_ =	shalt  }
0x4f: {  	_ =	shalt  }
0x50: {  	_ =	shalt  }
0x51: {  	_ =	shalt  }
0x52: {  	_ =	shalt  }
0x53: {  	_ =	shalt  }
0x54: {  	_ =	shalt  }
0x55: {  	_ =	shalt  }
0x56: {  	_ =	shalt  }
0x57: {  	_ =	shalt  }
0x58: {  	_ =	shalt  }
0x59: {  	_ =	shalt  }
0x5a: {  	_ =	shalt  }
0x5b: {  	_ =	shalt  }
0x5c: {  	_ =	shalt  }
0x5d: {  	_ =	shalt  }
0x5e: {  	_ =	shalt  }
0x5f: {  	_ =	shalt  }
0x60: {  	_ =	shalt  }
0x61: {  	_ =	shalt  }
0x62: {  	_ =	shalt  }
0x63: {  	_ =	shalt  }
0x64: {  	_ =	shalt  }
0x65: {  	_ =	shalt  }
0x66: {  	_ =	shalt  }
0x67: {  	_ =	shalt  }
0x68: {  	_ =	shalt  }
0x69: {  	_ =	shalt  }
0x6a: {  	_ =	shalt  }
0x6b: {  	_ =	shalt  }
0x6c: {  	_ =	shalt  }
0x6d: {  	_ =	shalt  }
0x6e: {  	_ =	shalt  }
0x6f: {  	_ =	shalt  }
0x70: {  	_ =	shalt  }
0x71: {  	_ =	shalt  }
0x72: {  	_ =	shalt  }
0x73: {  	_ =	shalt  }
0x74: {  	_ =	shalt  }
0x75: {  	_ =	shalt  }
0x76: {  	_ =	shalt  }
0x77: {  	_ =	shalt  }
0x78: {  	_ =	shalt  }
0x79: {  	_ =	shalt  }
0x7a: {  	_ =	shalt  }
0x7b: {  	_ =	shalt  }
0x7c: {  	_ =	shalt  }
0x7d: {  	_ =	shalt  }
0x7e: {  	_ =	shalt  }
0x7f: {  	_ =	shalt  }
0x80: {  	_ =	shalt  }
0x81: {  	_ =	shalt  }
0x82: {  	_ =	shalt  }
0x83: {  	_ =	shalt  }
0x84: {  	_ =	shalt  }
0x85: {  	_ =	shalt  }
0x86: {  	_ =	shalt  }
0x87: {  	_ =	shalt  }
.Lfunc_end0:
.L_simem_size_0:
called_computation.1_lowered:
.L_overlay_start_0:
0x88: {  	s2 =	sld [smem:$0x3FD9]  }
0x89: {  	s3 =	sld [smem:$0x3FFE];
	_ =	sdelay $0x1  }
0x8a: {  	s1 =	srdreg.scid  }
0x8b: {  	s0 =	sand.u32 $0x1, s1  }
0x8c: {  	s15 =	sshll.u32 s0, $0xA;
	s2 =	sadd.s32 s3, s2  }
0x8d: {  	s2 =	sadd.s32 s2, s15  }
0x8e: {  	[smem:$0x3FC0] =	sst s2  }
0x8f: {  	_ = 	snop  }
0x90: {  	s2 =	sld [smem:$0x3FD0];
	_ =	sdelay $0x2  }
0x91: {  	s16 =	simm.s32 $0xB;
	s4 =	simm.s32 $0x10  }
0x92: {  	[smem:s4], [sflag:s16] =	dma.local [hbm:s2], $0x1  }
0x93: {  	_ =	swait.eq [sflag:s16], $0x1  }
0x94: {  	[sflag:s16] =	ssyncset.done $0x0  }
0x95: {  	[sflag:s16] =	ssyncadd.s32 $0xFFFFFFFF  }
0x96: {  	s17 =	sld [smem:$0x10];
	(tm) =	ssettm $0x1  }
0x97: {  	s18 =	sld [smem:$0x3FFB];
	_ =	sdelay $0x3  }
0x98: {  	_ =	strace s18  }
0x99: {  	s2 =	sld [smem:$0x3FFC];
	_ =	sdelay $0x3  }
0x9a: {  	_ =	strace s2  }
0x9b: {  	s2 =	sld [smem:$0x3FFD];
	_ =	sdelay $0x3  }
0x9c: {  	_ =	strace s2  }
0x9d: {  	_ =	strace $0x8FFFFFFF  }
0x9e: {  	s19 =	sld [smem:$0x3FDB];
	_ =	sdelay $0x1  }
0x9f: {  	s20 =	simm.s32 $_scs_section_size  }
0xa0: {  	s5 =	simm.s32 $_size__tile_overlayer_lowered;
	s6 =	simm.s32 $_tile_overlayer_lowered  }
0xa1: {  	s7 =	simm.s32 $0x1BFF;
	s21 =	sshll.u32 s6, $0x1;
	s4 =	sadd.s32 s20, s19  }
0xa2: {  	s22 =	simm.s32 $0x0;
	s5 =	sshll.u32 s5, $0x1;
	s6 =	sadd.s32 s21, s4  }
0xa3: {  	[timem:s22], [sflag:s7] =	dma.local [hbm:s6], s5  }
0xa4: {  	_ =	swait.ge [sflag:s7], s5  }
0xa5: {  	s5 =	ssub.s32 $0x0, s5;
	[sflag:s7] =	ssyncset.done $0x0  }
0xa6: {  	[sflag:s7] =	ssyncadd.s32 s5;
	_ =	sdelay $0x1  }
0xa7: {  	s23 =	simm.s32 $0x1B8B  }
0xa8: {  	_ =	swait.ge [sflag:s23], $0x1  }
0xa9: {  	[sflag:s23] =	ssyncset.done $0x0  }
0xaa: {  	[sflag:s23] =	ssyncadd.s32 $0xFFFFFFFF  }
0xab: {  	s5 =	sld [smem:$0x0]  }
0xac: {  	s6 =	sand.u32 $0xFFFFFFFE, s1  }
0xad: {  	p0 =	sne.s32 s1, s6  }
0xae: {  	s6 =	sshll.u32 @p0 s6, $0xE  }
0xaf: {  	s6 =	sadd.s32 @p0 $0x11B8D, s6;
	s7 =	sshll.u32 @p0 s5, $0x11  }
0xb0: {  	s6 =	sor.u32 @p0 s7, s6  }
0xb1: {  	[sflag:s6] =	ssyncadd.remote.s32 @p0 $0x1;
	_ =	sdelay $0x1  }
0xb2: {  	s6 =	simm.s32 @p0 $0x1B8D  }
0xb3: {  	_ =	swait.eq @p0 [sflag:s6], $0x1  }
0xb4: {  	[sflag:s6] =	ssyncadd.s32 @p0 $0xFFFFFFFF  }
0xb5: {  	s7 =	sshll.u32 @!p0 s1, $0xE  }
0xb6: {  	s7 =	sor.u32 @!p0 $0x4000, s7;
	s6 =	simm.s32 @!p0 $0x1B8D  }
0xb7: {  	s5 =	sshll.u32 @!p0 s5, $0x11;
	s7 =	sadd.s32 @!p0 $0x11B8D, s7;
	_ =	swait.eq @!p0 [sflag:s6], $0x1  }
0xb8: {  	s5 =	sor.u32 @!p0 s5, s7;
	[sflag:s6] =	ssyncadd.s32 @!p0 $0xFFFFFFFF  }
0xb9: {  	s25 =	simm.s32 $0x1B8E;
	s24 =	sld [smem:$0x3FFE];
	[sflag:s5] =	ssyncadd.remote.s32 @!p0 $0x1  }
0xba: {  	s26 =	simm.s32 $execute0_lowered;
	[smem:$0x3FD2] =	sst s25  }
0xbb: {  	s6 =	sshll.u32 s26, $0x1;
	_ =	strace $0x80000049;
	[dreg:$0x1] =	wrdreg $0xFFFFFFFF  }
0xbc: {  	s28 =	simm.s32 $_size_execute0_lowered;
	s4 =	sadd.s32 s4, s6;
	[dreg:$0x0] =	wrdreg $0x0  }
0xbd: {  	s6 =	sshll.u32 s28, $0x1;
	[dreg:$0x2] =	wrdreg s4  }
0xbe: {  	[dreg:$0x3] =	wrdreg s6  }
0xbf: {  	[dreg:$0x4] =	wrdreg $0xC0  }
0xc0: {  	_ =	task [dreg:s22], $0x5FFFF  }
0xc1: {  	[dreg:$0x1] =	wrdreg $0xFFFFFFFF  }
0xc2: {  	[dreg:$0x0] =	wrdreg $0x60  }
0xc3: {  	[dreg:$0x2] =	wrdreg s24  }
0xc4: {  	[dreg:$0x3] =	wrdreg s17  }
0xc5: {  	[dreg:$0x4] =	wrdreg $0xA  }
0xc6: {  	_ =	task.clear_ibuf [dreg:s22], $0x5FFFF;
	_ =	strace $0x90000049  }
0xc7: {  	s29 =	simm.s32 $0xA;
	_ =	strace $0x8000004B  }
0xc8: {  	_ =	swait.ge [sflag:s29], $0x1  }
0xc9: {  	[sflag:s29] =	ssyncadd.s32 $0xFFFFFFFF  }
0xca: {  	_ =	strace $0x9000004B  }
0xcb: {  	_ =	sfence  }
0xcc: {  	s30 =	sld [smem:$0x0];
	_ =	sdelay $0x2  }
0xcd: {  	s31 =	sshll.u32 s1, $0xD;
	s1 =	sshrl.u32 s1, $0x2  }
0xce: {  	s4 =	sand.u32 $0x4000, s31;
	s1 =	sadd.s32 s1, s30  }
0xcf: {  	s0 =	sor.u32 s4, s0;
	s1 =	sshll.u32 s1, $0x11  }
0xd0: {  	s0 =	sor.u32 s1, s0  }
0xd1: {  	s0 =	sadd.s32 $0x8F2B, s0  }
0xd2: {  	[sflag:s0] =	ssyncadd.remote.s32 $0x1  }
0xd3: {  	_ =	sfence.sel $0xFFFF  }
0xd4: {  	[dreg:$0x0] =	wrdreg $0xFFFFFFFF;
	(pc) =	sbr.abs _section_cstart, $3  }
0xd5: {  	[dreg:$0x1] =	wrdreg $0xFFFFFFFF  }
0xd6: {  	_ =	task.clear_ibuf [dreg:s22], $0x2FFFF;
	_ =	strace $0x9FFFFFFF  }
0xd7: {  	(tm) =	ssettm $0x7FFFFFFF  }
tec
execute0_lowered:
.L_overlay_start_1:
0x0: {  	(tag) =	ssettag $0x1  }
0x1: {  	s4 =	rddreg [dreg:$0x0]  }
0x2: {  	s6 =	rddreg [dreg:$0x1]  }
0x3: {  	s0 =	rddreg [dreg:$0x2];
	s2 =	simm.s32 $0x0;
	s3 =	srdreg.scid  }
0x4: {  	s1 =	stileid.u32;
	s11 =	simm.s32 $0x4000;
	s12 =	simm.s32 $0x4  }
0x5: {  	s13 =	simm.s32 $0x1A00;
	s14 =	simm.s32 $0x680;
	s15 =	simm.s32 $0x3400  }
0x6: {  	s16 =	simm.s32 $0x1;
	s17 =	simm.s32 $0x2080;
	s18 =	simm.s32 $0x9C00  }
0x7: {  	s19 =	simm.s32 $0x2;
	s20 =	simm.s32 $0x2700;
	s21 =	simm.s32 $0x3  }
0x8: {  	s22 =	simm.s32 $0x2D80;
	s23 =	simm.s32 $0x0;
	[smem:$0x7FF] =	sst s2  }
0x9: {  	s5 =	sand.u32 $0x1, s3;
	s30 =	sshll.u32 s1, $0x1;
	s3 =	sadd.s32 $0x2F4400, s4  }
0xa: {  	_ =	strace $0x8000004A;
	s7 =	sor.u32 s5, s30;
	s5 =	ssub.s32 $0x2, s5  }
0xb: {  	s8 =	smul.u32 $0x1A000, s7;
	s9 =	sshll.u32 s7, $0x6;
	s10 =	sshrl.u32 s5, $0x1  }
0xc: {  	v0 =	vimm.s32 $0x36147250;
	s7 =	smul.u32 $0x3400, s7;
	s4 =	sadd.s32 s9, s4;
	s31 =	ssub.s32 s5, s10  }
0xd: {  	v1 =	vunpack.c.l.s4.s8 v0;
	s10 =	simm.s32 $0x200;
	s8 =	sshrl.u32 s8, $0x3;
	s4 =	sadd.s32 $0x285C00, s4  }
0xe: {  	v0 =	vlaneseq.u32;
	s5 =	sadd.s32 s6, s7;
	s9 =	smax.u32 s31, $0x1;
	s8 =	sadd.s32 s6, s8  }
0xf: {  	v0 =	vmul.u32 $0xD, v0;
	v1 =	vunpack.c.0.s8.s32 v1;
	s6 =	sadd.s32 $0xD00, s8;
	s7 =	sadd.s32 $0x1A00, s8;
	s8 =	sadd.s32 $0x2700, s8  }
.LBB2_1:
0x10: {  	[tilespmem:s2], [sflag:$0x4] =	stream.strided.gather [hbm4b:s4+s10], $0x1A00, s11, s10, $0x38;
	[tilespmem:$0x10400] =	vst v63  }
0x11: {  	_ =	swait.ge [sflag:s12], $0x1A00  }
0x12: {  	v2 =	vadd.s32 s2, v0;
	[sflag:s12] =	ssyncset.done $0x0  }
0x13: {  	v3 =	vand.u32 $0x3FF8, v2;
	[sflag:s12] =	ssyncadd.s32 $0xFFFFE600  }
0x14: {  	s24 =	simm.s32 $0xD0;
	s25 =	simm.s32 $0x0;
	v3 =	vor.u32 v1, v3;
	v2 =	vld [tilespmem:s2+$0x0]  }
.LBB2_2:
0x15: {  	p0 =	sne.s32 s24, $0x1930  }
.Ltmp0:
0x16: {  	_ = 	snop;
	(pc) =	sbr.rel @p0 .LBB2_2-.Ltmp0, $4  }
0x17: {  	_ = 	snop  }
0x18: {  	v4 =	vadd.s32 s24, v0;
	s24 =	sadd.s32 $0xD0, s24  }
0x19: {  	s25 =	sadd.s32 $0x10, s25;
	v4 =	vand.u32 $0x3FF8, v4;
	[tilespmem:v3+s13+$0x0] =	vst.idx.msk $0xffff, v2  }
0x1a: {  	v3 =	vor.u32 v1, v4;
	v2 =	vld [tilespmem:s25+$0x0]  }
0x1b: {  	_ =	sdelay $0x3  }
0x1c: {  	s26 =	simm.s32 $0x1;
	s24 =	simm.s32 $0x200;
	[tilespmem:v3+s13+$0x0] =	vst.idx.msk $0xffff, v2  }
0x1d: {  	s25 =	simm.s32 $0xD1;
	v3 =	vadd.s32 s26, v0;
	v2 =	vld [tilespmem:s24+$0x0]  }
.LBB2_4:
0x1e: {  	p0 =	sne.s32 s25, $0x1931  }
.Ltmp1:
0x1f: {  	_ = 	snop;
	(pc) =	sbr.rel @p0 .LBB2_4-.Ltmp1, $3  }
0x20: {  	_ =	sdelay $0x1  }
0x21: {  	s24 =	sadd.s32 $0x10, s24;
	s26 =	smov.u32 s25;
	s25 =	sadd.s32 $0xD0, s25;
	[tilespmem:v3+s13+$0x0] =	vst.idx.msk $0xffff, v2  }
0x22: {  	v3 =	vadd.s32 s26, v0;
	v2 =	vld [tilespmem:s24+$0x0]  }
0x23: {  	_ =	sdelay $0x3  }
0x24: {  	s26 =	simm.s32 $0x2;
	s24 =	simm.s32 $0x400;
	[tilespmem:v3+s13+$0x0] =	vst.idx.msk $0xffff, v2  }
0x25: {  	s25 =	simm.s32 $0xD2;
	v3 =	vadd.s32 s26, v0;
	v2 =	vld [tilespmem:s24+$0x0]  }
.LBB2_6:
0x26: {  	p0 =	sne.s32 s25, $0x1932  }
.Ltmp2:
0x27: {  	_ = 	snop;
	(pc) =	sbr.rel @p0 .LBB2_6-.Ltmp2, $3  }
0x28: {  	_ =	sdelay $0x1  }
0x29: {  	s24 =	sadd.s32 $0x10, s24;
	s26 =	smov.u32 s25;
	s25 =	sadd.s32 $0xD0, s25;
	[tilespmem:v3+s13+$0x0] =	vst.idx.msk $0xffff, v2  }
0x2a: {  	v3 =	vadd.s32 s26, v0;
	v2 =	vld [tilespmem:s24+$0x0]  }
0x2b: {  	_ =	sdelay $0x3  }
0x2c: {  	s26 =	simm.s32 $0x3;
	s24 =	simm.s32 $0x600;
	[tilespmem:v3+s13+$0x0] =	vst.idx.msk $0xffff, v2  }
0x2d: {  	s25 =	simm.s32 $0xD3;
	v3 =	vadd.s32 s26, v0;
	v2 =	vld [tilespmem:s24+$0x0]  }
.LBB2_8:
0x2e: {  	p0 =	sne.s32 s25, $0x1933  }
.Ltmp3:
0x2f: {  	_ = 	snop;
	(pc) =	sbr.rel @p0 .LBB2_8-.Ltmp3, $3  }
0x30: {  	_ =	sdelay $0x1  }
0x31: {  	s24 =	sadd.s32 $0x10, s24;
	s26 =	smov.u32 s25;
	s25 =	sadd.s32 $0xD0, s25;
	[tilespmem:v3+s13+$0x0] =	vst.idx.msk $0xffff, v2  }
0x32: {  	v3 =	vadd.s32 s26, v0;
	v2 =	vld [tilespmem:s24+$0x0]  }
0x33: {  	_ =	sdelay $0x3  }
0x34: {  	s26 =	simm.s32 $0x4;
	s24 =	simm.s32 $0x800;
	[tilespmem:v3+s13+$0x0] =	vst.idx.msk $0xffff, v2  }
0x35: {  	s25 =	simm.s32 $0xD4;
	v3 =	vadd.s32 s26, v0;
	v2 =	vld [tilespmem:s24+$0x0]  }
.LBB2_10:
0x36: {  	p0 =	sne.s32 s25, $0x1934  }
.Ltmp4:
0x37: {  	_ = 	snop;
	(pc) =	sbr.rel @p0 .LBB2_10-.Ltmp4, $3  }
0x38: {  	_ =	sdelay $0x1  }
0x39: {  	s24 =	sadd.s32 $0x10, s24;
	s26 =	smov.u32 s25;
	s25 =	sadd.s32 $0xD0, s25;
	[tilespmem:v3+s13+$0x0] =	vst.idx.msk $0xffff, v2  }
0x3a: {  	v3 =	vadd.s32 s26, v0;
	v2 =	vld [tilespmem:s24+$0x0]  }
0x3b: {  	_ =	sdelay $0x3  }
0x3c: {  	s26 =	simm.s32 $0x5;
	s24 =	simm.s32 $0xA00;
	[tilespmem:v3+s13+$0x0] =	vst.idx.msk $0xffff, v2  }
0x3d: {  	s25 =	simm.s32 $0xD5;
	v3 =	vadd.s32 s26, v0;
	v2 =	vld [tilespmem:s24+$0x0]  }
.LBB2_12:
0x3e: {  	p0 =	sne.s32 s25, $0x1935  }
.Ltmp5:
0x3f: {  	_ = 	snop;
	(pc) =	sbr.rel @p0 .LBB2_12-.Ltmp5, $3  }
0x40: {  	_ =	sdelay $0x1  }
0x41: {  	s24 =	sadd.s32 $0x10, s24;
	s26 =	smov.u32 s25;
	s25 =	sadd.s32 $0xD0, s25;
	[tilespmem:v3+s13+$0x0] =	vst.idx.msk $0xffff, v2  }
0x42: {  	v3 =	vadd.s32 s26, v0;
	v2 =	vld [tilespmem:s24+$0x0]  }
0x43: {  	_ =	sdelay $0x3  }
0x44: {  	s26 =	simm.s32 $0x6;
	s24 =	simm.s32 $0xC00;
	[tilespmem:v3+s13+$0x0] =	vst.idx.msk $0xffff, v2  }
0x45: {  	s25 =	simm.s32 $0xD6;
	v3 =	vadd.s32 s26, v0;
	v2 =	vld [tilespmem:s24+$0x0]  }
.LBB2_14:
0x46: {  	p0 =	sne.s32 s25, $0x1936  }
.Ltmp6:
0x47: {  	_ = 	snop;
	(pc) =	sbr.rel @p0 .LBB2_14-.Ltmp6, $3  }
0x48: {  	_ =	sdelay $0x1  }
0x49: {  	s24 =	sadd.s32 $0x10, s24;
	s26 =	smov.u32 s25;
	s25 =	sadd.s32 $0xD0, s25;
	[tilespmem:v3+s13+$0x0] =	vst.idx.msk $0xffff, v2  }
0x4a: {  	v3 =	vadd.s32 s26, v0;
	v2 =	vld [tilespmem:s24+$0x0]  }
0x4b: {  	_ =	sdelay $0x3  }
0x4c: {  	s26 =	simm.s32 $0x7;
	s24 =	simm.s32 $0xE00;
	[tilespmem:v3+s13+$0x0] =	vst.idx.msk $0xffff, v2  }
0x4d: {  	s25 =	simm.s32 $0xD7;
	v3 =	vadd.s32 s26, v0;
	v2 =	vld [tilespmem:s24+$0x0]  }
.LBB2_16:
0x4e: {  	p0 =	sne.s32 s25, $0x1937  }
.Ltmp7:
0x4f: {  	_ = 	snop;
	(pc) =	sbr.rel @p0 .LBB2_16-.Ltmp7, $3  }
0x50: {  	_ =	sdelay $0x1  }
0x51: {  	s24 =	sadd.s32 $0x10, s24;
	s26 =	smov.u32 s25;
	s25 =	sadd.s32 $0xD0, s25;
	[tilespmem:v3+s13+$0x0] =	vst.idx.msk $0xffff, v2  }
0x52: {  	v3 =	vadd.s32 s26, v0;
	v2 =	vld [tilespmem:s24+$0x0]  }
0x53: {  	_ =	sdelay $0x1  }
0x54: {  	s24 =	simm.s32 $0x8  }
0x55: {  	v4 =	vadd.s32 s24, v0  }
0x56: {  	s24 =	simm.s32 $0x1000;
	[tilespmem:v3+s13+$0x0] =	vst.idx.msk $0xffff, v2;
	v3 =	vand.u32 $0x3FF8, v4  }
0x57: {  	s25 =	simm.s32 $0xD8;
	v2 =	vld [tilespmem:s24+$0x0];
	v3 =	vor.u32 v1, v3  }
.LBB2_18:
0x58: {  	p0 =	sne.s32 s25, $0x1938  }
.Ltmp8:
0x59: {  	_ = 	snop;
	(pc) =	sbr.rel @p0 .LBB2_18-.Ltmp8, $4  }
0x5a: {  	_ = 	snop  }
0x5b: {  	v4 =	vadd.s32 s25, v0;
	s25 =	sadd.s32 $0xD0, s25  }
0x5c: {  	s24 =	sadd.s32 $0x10, s24;
	v4 =	vand.u32 $0x3FF8, v4;
	[tilespmem:v3+s13+$0x0] =	vst.idx.msk $0xffff, v2  }
0x5d: {  	v3 =	vor.u32 v1, v4;
	v2 =	vld [tilespmem:s24+$0x0]  }
0x5e: {  	_ =	sdelay $0x3  }
0x5f: {  	s26 =	simm.s32 $0x9;
	s24 =	simm.s32 $0x1200;
	[tilespmem:v3+s13+$0x0] =	vst.idx.msk $0xffff, v2  }
0x60: {  	s25 =	simm.s32 $0xD9;
	v3 =	vadd.s32 s26, v0;
	v2 =	vld [tilespmem:s24+$0x0]  }
.LBB2_20:
0x61: {  	p0 =	sne.s32 s25, $0x1939  }
.Ltmp9:
0x62: {  	_ = 	snop;
	(pc) =	sbr.rel @p0 .LBB2_20-.Ltmp9, $3  }
0x63: {  	_ =	sdelay $0x1  }
0x64: {  	s24 =	sadd.s32 $0x10, s24;
	s26 =	smov.u32 s25;
	s25 =	sadd.s32 $0xD0, s25;
	[tilespmem:v3+s13+$0x0] =	vst.idx.msk $0xffff, v2  }
0x65: {  	v3 =	vadd.s32 s26, v0;
	v2 =	vld [tilespmem:s24+$0x0]  }
0x66: {  	_ =	sdelay $0x3  }
0x67: {  	s26 =	simm.s32 $0xA;
	s24 =	simm.s32 $0x1400;
	[tilespmem:v3+s13+$0x0] =	vst.idx.msk $0xffff, v2  }
0x68: {  	s25 =	simm.s32 $0xDA;
	v3 =	vadd.s32 s26, v0;
	v2 =	vld [tilespmem:s24+$0x0]  }
.LBB2_22:
0x69: {  	p0 =	sne.s32 s25, $0x193A  }
.Ltmp10:
0x6a: {  	_ = 	snop;
	(pc) =	sbr.rel @p0 .LBB2_22-.Ltmp10, $3  }
0x6b: {  	_ =	sdelay $0x1  }
0x6c: {  	s24 =	sadd.s32 $0x10, s24;
	s26 =	smov.u32 s25;
	s25 =	sadd.s32 $0xD0, s25;
	[tilespmem:v3+s13+$0x0] =	vst.idx.msk $0xffff, v2  }
0x6d: {  	v3 =	vadd.s32 s26, v0;
	v2 =	vld [tilespmem:s24+$0x0]  }
0x6e: {  	_ =	sdelay $0x3  }
0x6f: {  	s26 =	simm.s32 $0xB;
	s24 =	simm.s32 $0x1600;
	[tilespmem:v3+s13+$0x0] =	vst.idx.msk $0xffff, v2  }
0x70: {  	s25 =	simm.s32 $0xDB;
	v3 =	vadd.s32 s26, v0;
	v2 =	vld [tilespmem:s24+$0x0]  }
.LBB2_24:
0x71: {  	p0 =	sne.s32 s25, $0x193B  }
.Ltmp11:
0x72: {  	_ = 	snop;
	(pc) =	sbr.rel @p0 .LBB2_24-.Ltmp11, $3  }
0x73: {  	_ =	sdelay $0x1  }
0x74: {  	s24 =	sadd.s32 $0x10, s24;
	s26 =	smov.u32 s25;
	s25 =	sadd.s32 $0xD0, s25;
	[tilespmem:v3+s13+$0x0] =	vst.idx.msk $0xffff, v2  }
0x75: {  	v3 =	vadd.s32 s26, v0;
	v2 =	vld [tilespmem:s24+$0x0]  }
0x76: {  	_ =	sdelay $0x3  }
0x77: {  	s26 =	simm.s32 $0xC;
	s24 =	simm.s32 $0x1800;
	[tilespmem:v3+s13+$0x0] =	vst.idx.msk $0xffff, v2  }
0x78: {  	s25 =	simm.s32 $0xDC;
	v3 =	vadd.s32 s26, v0;
	v2 =	vld [tilespmem:s24+$0x0]  }
.LBB2_26:
0x79: {  	p0 =	sne.s32 s25, $0x193C  }
.Ltmp12:
0x7a: {  	_ = 	snop;
	(pc) =	sbr.rel @p0 .LBB2_26-.Ltmp12, $3  }
0x7b: {  	_ =	sdelay $0x1  }
0x7c: {  	s24 =	sadd.s32 $0x10, s24;
	s26 =	smov.u32 s25;
	s25 =	sadd.s32 $0xD0, s25;
	[tilespmem:v3+s13+$0x0] =	vst.idx.msk $0xffff, v2  }
0x7d: {  	v3 =	vadd.s32 s26, v0;
	v2 =	vld [tilespmem:s24+$0x0]  }
0x7e: {  	_ =	sdelay $0x3  }
0x7f: {  	[tilespmem:v3+s13+$0x0] =	vst.idx.msk $0xffff, v2  }
0x80: {  	[tilespmem:s15], [sflag:$0x1] =	stream.indirect.gather [hbm4b:s3+s14], $0x10, s13, s14, $0xb8;
	[tilespmem:$0x10400] =	vst v63  }
0x81: {  	_ =	swait.ge [sflag:s16], $0x6800  }
0x82: {  	[sflag:s16] =	ssyncset.done $0x0  }
0x83: {  	[sflag:s16] =	ssyncadd.s32 $0xFFFF9800  }
0x84: {  	[hbm4b:s5+s2] =	stream.linear.scatter [tilespmem:s15], [sflag:$0x2], $0x6800, $0x38;
	[tilespmem:$0x10400] =	vst v63  }
0x85: {  	_ = 	snop  }
0x86: {  	[tilespmem:s18], [sflag:$0x1] =	stream.indirect.gather [hbm4b:s3+s14], $0x10, s17, s14, $0xb8;
	[tilespmem:$0x10400] =	vst v63  }
0x87: {  	_ =	swait.ge [sflag:s16], $0x6800  }
0x88: {  	[sflag:s16] =	ssyncset.done $0x0  }
0x89: {  	[sflag:s16] =	ssyncadd.s32 $0xFFFF9800  }
0x8a: {  	[hbm4b:s6+s2] =	stream.linear.scatter [tilespmem:s18], [sflag:$0x3], $0x6800, $0x38;
	[tilespmem:$0x10400] =	vst v63  }
0x8b: {  	_ =	swait.ge [sflag:s19], $0x6800  }
0x8c: {  	[sflag:s19] =	ssyncset.done $0x0  }
0x8d: {  	[sflag:s19] =	ssyncadd.s32 $0xFFFF9800  }
0x8e: {  	[tilespmem:s15], [sflag:$0x1] =	stream.indirect.gather [hbm4b:s3+s14], $0x10, s20, s14, $0xb8;
	[tilespmem:$0x10400] =	vst v63  }
0x8f: {  	_ =	swait.ge [sflag:s16], $0x6800  }
0x90: {  	[sflag:s16] =	ssyncset.done $0x0  }
0x91: {  	[sflag:s16] =	ssyncadd.s32 $0xFFFF9800  }
0x92: {  	[hbm4b:s7+s2] =	stream.linear.scatter [tilespmem:s15], [sflag:$0x2], $0x6800, $0x38;
	[tilespmem:$0x10400] =	vst v63  }
0x93: {  	_ =	swait.ge [sflag:s21], $0x6800  }
0x94: {  	[sflag:s21] =	ssyncset.done $0x0  }
0x95: {  	[sflag:s21] =	ssyncadd.s32 $0xFFFF9800  }
0x96: {  	[tilespmem:s18], [sflag:$0x1] =	stream.indirect.gather [hbm4b:s3+s14], $0x10, s22, s14, $0xb8;
	[tilespmem:$0x10400] =	vst v63  }
0x97: {  	_ =	swait.ge [sflag:s16], $0x6800  }
0x98: {  	[sflag:s16] =	ssyncset.done $0x0  }
0x99: {  	s23 =	sadd.s32 $0x1, s23;
	[sflag:s16] =	ssyncadd.s32 $0xFFFF9800  }
0x9a: {  	[hbm4b:s8+s2] =	stream.linear.scatter [tilespmem:s18], [sflag:$0x3], $0x6800, $0x38;
	[tilespmem:$0x10400] =	vst v63  }
0x9b: {  	p0 =	sne.s32 s23, s9;
	_ =	swait.ge [sflag:s19], $0x6800  }
.Ltmp13:
0x9c: {  	[sflag:s19] =	ssyncset.done $0x0;
	(pc) =	sbr.rel @p0 .LBB2_1-.Ltmp13, $4  }
0x9d: {  	[sflag:s19] =	ssyncadd.s32 $0xFFFF9800  }
0x9e: {  	_ =	swait.ge [sflag:s21], $0x6800  }
0x9f: {  	[sflag:s21] =	ssyncset.done $0x0  }
0xa0: {  	[sflag:s21] =	ssyncadd.s32 $0xFFFF9800  }
0xa1: {  	_ =	sfence.sel $0x180000  }
0xa2: {  	[bflag:$0x0] =	sbarrier.arrive $0xFFFF  }
0xa3: {  	p0 =	sne.s32 s1, $0x0;
	_ =	strace $0x9000004A  }
0xa4: {  	s0 =	sadd.s32 @!p0 $0x100000, s0;
	[bflag:$0x2] =	sbarrier.arrive $0xFFFF  }
0xa5: {  	[sflag:s0] =	ssyncadd.tile.s32 @!p0 $0x1;
	_ =	shalt  }
.Lfunc_end2:
_tile_overlayer_lowered:
.L_overlay_start_2:
0xa6: {  	(tag) =	ssettag $0x2  }
0xa7: {  	s0 =	rddreg [dreg:$0x0];
	s2 =	stileid.u32  }
0xa8: {  	s1 =	rddreg [dreg:$0x1];
	p0 =	sne.s32 s2, $0x0  }
0xa9: {  	s3 =	rddreg [dreg:$0x2];
	[bflag:$0x3] =	sbarrier.arrive $0xFFFF;
	s2 =	simm.s32 @!p0 $0x1C04  }
0xaa: {  	[timem:s3], [sflag:s2] =	dma.local @!p0 [hbm:s0], s1  }
0xab: {  	s0 =	simm.s32 @!p0 $0x4  }
0xac: {  	_ =	swait.ge @!p0 [sflag:s0], s1  }
0xad: {  	s1 =	ssub.s32 @!p0 $0x0, s1;
	[sflag:s0] =	ssyncset.done @!p0 $0x0  }
0xae: {  	[sflag:s0] =	ssyncadd.s32 @!p0 s1  }
0xaf: {  	[bflag:$0x3] =	sbarrier.arrive $0xFFFF  }
0xb0: {  	_ =	shalt  }

// kernel: kernel.7.cloned.1.call-start
scs
__scs_entry_jumppad:
0x0: {  	(pc) =	sbr.rel $0x88, $3  }
0x1: {  	(tag) =	ssettag $0x0;
	lr =	simm.s32 $0x1  }
0x2: {  	[smem:$0x3F99] =	sst lr;
	_ =	strace $0xD0000000  }
0x3: {  	_ = 	snop  }
0x4: {  	_ = 	snop  }
0x5: {  	_ = 	snop  }
0x6: {  	_ = 	snop  }
0x7: {  	_ = 	snop  }
__scs_overlays_trampoline_lowered:
0x8: {  	[smem:$0x3FA8] =	sst s0  }
0x9: {  	[smem:$0x3FA9] =	sst s1  }
0xa: {  	[smem:$0x3FAA] =	sst s2  }
0xb: {  	[smem:$0x3FAB] =	sst s3  }
0xc: {  	[smem:$0x3FAC] =	sst s4  }
0xd: {  	[smem:$0x3FAD] =	sst s5  }
0xe: {  	[smem:$0x3FAE] =	sst s6  }
0xf: {  	[smem:$0x3FAF] =	sst s7  }
0x10: {  	[smem:$0x3FB0] =	sst s8  }
0x11: {  	[smem:$0x3FB1] =	sst s9;
	s0 =	simm.s32 @!p0 $0x0  }
0x12: {  	s1 =	sld [smem:$0x3F97];
	s0 =	simm.s32 @p0 $0x1  }
0x13: {  	[smem:$0x3FB2] =	sst s0;
	s0 =	simm.s32 @!p1 $0x0  }
0x14: {  	s2 =	sld [smem:$0x3F96];
	s0 =	simm.s32 @p1 $0x1  }
0x15: {  	[smem:$0x3FB3] =	sst s0;
	s0 =	simm.s32 @!p2 $0x0  }
0x16: {  	s3 =	sld [smem:$0x3FDB];
	s0 =	simm.s32 @p2 $0x1  }
0x17: {  	s4 =	simm.s32 $0x1BF5;
	[smem:$0x3FB5] =	sst s0  }
0x18: {  	s0 =	sld [smem:$0x3F98];
	_ =	swait.ge [sflag:s4], $0x0  }
0x19: {  	s7 =	sld [smem:$0x3F99]  }
0x1a: {  	s8 =	sadd.s32 $0xFFFFE003, lr  }
0x1b: {  	s9 =	sadd.s32 $0xFFFFFEF7, lr;
	s5 =	simm.s32 $0xFFFFFFFF;
	p2 =	slt.u32 s8, $0xFFFFF086  }
0x1c: {  	p1 =	slt.u32 s9, $0xF7A;
	s5 =	simm.s32 @!p2 $0x0  }
0x1d: {  	s5 =	simm.s32 @p1 $0x1;
	p0 =	seq.s32 s7, s2  }
0x1e: {  	s7 =	smul.u32 @!p0 $0xF7A, s2;
	p2 =	seq.s32 @!p0 s5, $0x0  }
0x1f: {  	s9 =	smul.u32 $0xF7A, s1;
	s8 =	simm.s32 @!p0 $0x1BF5;
	p2 =	por !p2, p0  }
0x20: {  	[sflag:s8] =	ssyncset.s32 @!p0 $0xFFFFF086;
	s6 =	sadd.s32 @!p0 s3, s7;
	s7 =	simm.s32 @!p0 $0x108  }
0x21: {  	s3 =	sadd.s32 s3, s9;
	s6 =	sadd.s32 @!p0 $0x88, s6;
	s7 =	simm.s32 @p2 $0x1082  }
0x22: {  	[simem:s7], [sflag:s8] =	dma.local @!p0 [hbm:s6], $0xF7A  }
0x23: {  	s9 =	sor.u32 $0xD0000000, s2;
	s6 =	simm.s32 $0x108;
	_ =	swait.ge @!p0 [sflag:s8], $0x0  }
0x24: {  	s3 =	sadd.s32 $0x88, s3;
	s6 =	simm.s32 @!p1 $0x1082;
	[sflag:s4] =	ssyncset.s32 $0xFFFFF086  }
0x25: {  	[simem:s6], [sflag:s4] =	dma.local [hbm:s3], $0xF7A  }
0x26: {  	[smem:$0x3F99] =	sst s1;
	(tag) =	ssettag s2;
	_ =	strace s9  }
0x27: {  	s1 =	sld [smem:$0x3FA9]  }
0x28: {  	s2 =	sld [smem:$0x3FAA]  }
0x29: {  	s4 =	sld [smem:$0x3FAC]  }
0x2a: {  	p0 =	seq.s32 s5, $0x0;
	s5 =	sld [smem:$0x3FAD]  }
0x2b: {  	s6 =	sld [smem:$0x3FAE]  }
0x2c: {  	s7 =	sld [smem:$0x3FAF]  }
0x2d: {  	s3 =	simm.s32 $0x108;
	s8 =	sld [smem:$0x3FB0]  }
0x2e: {  	s3 =	simm.s32 @!p0 $0x1082;
	s9 =	sld [smem:$0x3FB1]  }
0x2f: {  	lr =	sadd.s32 s0, s3;
	s0 =	sld [smem:$0x3FA8]  }
0x30: {  	s3 =	sld [smem:$0x3FAB]  }
0x31: {  	[smem:$0x3FB4] =	sst s10  }
0x32: {  	s10 =	sld [smem:$0x3FB2];
	_ =	sdelay $0x3  }
0x33: {  	p0 =	seq.s32 s10, $0x1;
	s10 =	sld [smem:$0x3FB4];
	_ =	sdelay $0x3  }
0x34: {  	[smem:$0x3FB4] =	sst s10  }
0x35: {  	s10 =	sld [smem:$0x3FB3];
	_ =	sdelay $0x3  }
0x36: {  	p1 =	seq.s32 s10, $0x1;
	s10 =	sld [smem:$0x3FB4];
	_ =	sdelay $0x3  }
0x37: {  	[smem:$0x3FB4] =	sst s10  }
0x38: {  	s10 =	sld [smem:$0x3FB5]  }
0x39: {  	_ = 	snop;
	(pc) =	sbr.ind lr, $3  }
0x3a: {  	_ = 	snop  }
0x3b: {  	_ = 	snop  }
0x3c: {  	p2 =	seq.s32 s10, $0x1;
	s10 =	sld [smem:$0x3FB4]  }
0x3d: {  	_ =	shalt  }
0x3e: {  	_ =	shalt  }
0x3f: {  	_ =	shalt  }
0x40: {  	_ =	shalt  }
0x41: {  	_ =	shalt  }
0x42: {  	_ =	shalt  }
0x43: {  	_ =	shalt  }
0x44: {  	_ =	shalt  }
0x45: {  	_ =	shalt  }
0x46: {  	_ =	shalt  }
0x47: {  	_ =	shalt  }
0x48: {  	_ =	shalt  }
0x49: {  	_ =	shalt  }
0x4a: {  	_ =	shalt  }
0x4b: {  	_ =	shalt  }
0x4c: {  	_ =	shalt  }
0x4d: {  	_ =	shalt  }
0x4e: {  	_ =	shalt  }
0x4f: {  	_ =	shalt  }
0x50: {  	_ =	shalt  }
0x51: {  	_ =	shalt  }
0x52: {  	_ =	shalt  }
0x53: {  	_ =	shalt  }
0x54: {  	_ =	shalt  }
0x55: {  	_ =	shalt  }
0x56: {  	_ =	shalt  }
0x57: {  	_ =	shalt  }
0x58: {  	_ =	shalt  }
0x59: {  	_ =	shalt  }
0x5a: {  	_ =	shalt  }
0x5b: {  	_ =	shalt  }
0x5c: {  	_ =	shalt  }
0x5d: {  	_ =	shalt  }
0x5e: {  	_ =	shalt  }
0x5f: {  	_ =	shalt  }
0x60: {  	_ =	shalt  }
0x61: {  	_ =	shalt  }
0x62: {  	_ =	shalt  }
0x63: {  	_ =	shalt  }
0x64: {  	_ =	shalt  }
0x65: {  	_ =	shalt  }
0x66: {  	_ =	shalt  }
0x67: {  	_ =	shalt  }
0x68: {  	_ =	shalt  }
0x69: {  	_ =	shalt  }
0x6a: {  	_ =	shalt  }
0x6b: {  	_ =	shalt  }
0x6c: {  	_ =	shalt  }
0x6d: {  	_ =	shalt  }
0x6e: {  	_ =	shalt  }
0x6f: {  	_ =	shalt  }
0x70: {  	_ =	shalt  }
0x71: {  	_ =	shalt  }
0x72: {  	_ =	shalt  }
0x73: {  	_ =	shalt  }
0x74: {  	_ =	shalt  }
0x75: {  	_ =	shalt  }
0x76: {  	_ =	shalt  }
0x77: {  	_ =	shalt  }
0x78: {  	_ =	shalt  }
0x79: {  	_ =	shalt  }
0x7a: {  	_ =	shalt  }
0x7b: {  	_ =	shalt  }
0x7c: {  	_ =	shalt  }
0x7d: {  	_ =	shalt  }
0x7e: {  	_ =	shalt  }
0x7f: {  	_ =	shalt  }
0x80: {  	_ =	shalt  }
0x81: {  	_ =	shalt  }
0x82: {  	_ =	shalt  }
0x83: {  	_ =	shalt  }
0x84: {  	_ =	shalt  }
0x85: {  	_ =	shalt  }
0x86: {  	_ =	shalt  }
0x87: {  	_ =	shalt  }
.Lfunc_end0:
.L_simem_size_0:
called_computation_lowered:
.L_overlay_start_0:
0x88: {  	s2 =	sld [smem:$0x3FD9]  }
0x89: {  	s3 =	sld [smem:$0x3FFE];
	_ =	sdelay $0x1  }
0x8a: {  	s1 =	srdreg.scid  }
0x8b: {  	s0 =	sand.u32 $0x1, s1  }
0x8c: {  	s16 =	sshll.u32 s0, $0xA;
	s2 =	sadd.s32 s3, s2  }
0x8d: {  	s2 =	sadd.s32 s2, s16  }
0x8e: {  	[smem:$0x3FC0] =	sst s2  }
0x8f: {  	_ = 	snop  }
0x90: {  	(tm) =	ssettm $0x1  }
0x91: {  	s17 =	sld [smem:$0x3FFB];
	_ =	sdelay $0x3  }
0x92: {  	_ =	strace s17  }
0x93: {  	s2 =	sld [smem:$0x3FFC];
	_ =	sdelay $0x3  }
0x94: {  	_ =	strace s2  }
0x95: {  	s2 =	sld [smem:$0x3FFD];
	_ =	sdelay $0x3  }
0x96: {  	_ =	strace s2  }
0x97: {  	_ =	strace $0x8FFFFFFF  }
0x98: {  	s18 =	sld [smem:$0x3FDB];
	_ =	sdelay $0x1  }
0x99: {  	s19 =	simm.s32 $_scs_section_size  }
0x9a: {  	s4 =	simm.s32 $_size__tile_overlayer_lowered;
	s5 =	simm.s32 $_tile_overlayer_lowered  }
0x9b: {  	s22 =	simm.s32 $0x1BFF;
	s21 =	sshll.u32 s5, $0x1;
	s2 =	sadd.s32 s19, s18  }
0x9c: {  	s6 =	simm.s32 $0x0;
	s20 =	sshll.u32 s4, $0x1;
	s4 =	sadd.s32 s21, s2  }
0x9d: {  	[timem:s6], [sflag:s22] =	dma.local [hbm:s4], s20  }
0x9e: {  	_ =	swait.ge [sflag:s22], s20  }
0x9f: {  	s3 =	ssub.s32 $0x0, s20;
	[sflag:s22] =	ssyncset.done $0x0  }
0xa0: {  	[sflag:s22] =	ssyncadd.s32 s3;
	_ =	sdelay $0x1  }
0xa1: {  	s23 =	simm.s32 $0x1B8B  }
0xa2: {  	_ =	swait.ge [sflag:s23], $0x1  }
0xa3: {  	[sflag:s23] =	ssyncset.done $0x0  }
0xa4: {  	s25 =	simm.s32 $0x1B8E;
	s24 =	sld [smem:$0x3FFE];
	[sflag:s23] =	ssyncadd.s32 $0xFFFFFFFF  }
0xa5: {  	s26 =	simm.s32 $execute0_lowered;
	[smem:$0x3FD2] =	sst s25  }
0xa6: {  	s4 =	sshll.u32 s26, $0x1;
	_ =	strace $0x80000046;
	[dreg:$0x1] =	wrdreg $0xFFFFFFFF  }
0xa7: {  	s28 =	simm.s32 $_size_execute0_lowered;
	s2 =	sadd.s32 s2, s4;
	[dreg:$0x0] =	wrdreg $0x0  }
0xa8: {  	s4 =	sshll.u32 s28, $0x1;
	[dreg:$0x2] =	wrdreg s2  }
0xa9: {  	[dreg:$0x3] =	wrdreg s4  }
0xaa: {  	[dreg:$0x4] =	wrdreg $0xC0  }
0xab: {  	_ =	task [dreg:s6], $0x5FFFF  }
0xac: {  	[dreg:$0x1] =	wrdreg $0xFFFFFFFF  }
0xad: {  	[dreg:$0x0] =	wrdreg $0x60  }
0xae: {  	[dreg:$0x2] =	wrdreg s24  }
0xaf: {  	[dreg:$0x3] =	wrdreg $0x9  }
0xb0: {  	_ =	task.clear_ibuf [dreg:s6], $0x4FFFF;
	_ =	strace $0x90000046  }
0xb1: {  	s29 =	simm.s32 $0x9;
	_ =	strace $0x80000048  }
0xb2: {  	_ =	swait.ge [sflag:s29], $0x1  }
0xb3: {  	[sflag:s29] =	ssyncadd.s32 $0xFFFFFFFF  }
0xb4: {  	_ =	strace $0x90000048  }
0xb5: {  	_ =	sfence  }
0xb6: {  	s30 =	sld [smem:$0x0];
	_ =	sdelay $0x2  }
0xb7: {  	s31 =	sshll.u32 s1, $0xD;
	s1 =	sshrl.u32 s1, $0x2  }
0xb8: {  	s3 =	sand.u32 $0x4000, s31;
	s1 =	sadd.s32 s1, s30  }
0xb9: {  	s0 =	sor.u32 s3, s0;
	s1 =	sshll.u32 s1, $0x11  }
0xba: {  	s0 =	sor.u32 s1, s0  }
0xbb: {  	s0 =	sadd.s32 $0x8F2B, s0  }
0xbc: {  	[sflag:s0] =	ssyncadd.remote.s32 $0x1  }
0xbd: {  	_ =	sfence.sel $0xFFFF  }
0xbe: {  	[dreg:$0x0] =	wrdreg $0xFFFFFFFF;
	(pc) =	sbr.abs _section_cstart, $3  }
0xbf: {  	[dreg:$0x1] =	wrdreg $0xFFFFFFFF  }
0xc0: {  	_ =	task.clear_ibuf [dreg:s6], $0x2FFFF;
	_ =	strace $0x9FFFFFFF  }
0xc1: {  	(tm) =	ssettm $0x7FFFFFFF  }
tec
execute0_lowered:
.L_overlay_start_1:
0x0: {  	(tag) =	ssettag $0x1  }
0x1: {  	s4 =	rddreg [dreg:$0x0]  }
0x2: {  	s0 =	rddreg [dreg:$0x1]  }
0x3: {  	s2 =	simm.s32 $0x0;
	s3 =	srdreg.scid;
	s1 =	stileid.u32  }
0x4: {  	s11 =	simm.s32 $0x4000;
	s12 =	simm.s32 $0x4;
	s13 =	simm.s32 $0x1A00  }
0x5: {  	s14 =	simm.s32 $0x680;
	s15 =	simm.s32 $0x3400;
	s16 =	simm.s32 $0x1  }
0x6: {  	s17 =	simm.s32 $0x2080;
	s18 =	simm.s32 $0x9C00;
	s19 =	simm.s32 $0x2  }
0x7: {  	s20 =	simm.s32 $0x2700;
	s21 =	simm.s32 $0x3;
	s22 =	simm.s32 $0x2D80  }
0x8: {  	s23 =	simm.s32 $0x0;
	s5 =	sand.u32 $0x1, s3;
	s6 =	sshll.u32 s1, $0x1  }
0x9: {  	[smem:$0x7FF] =	sst s2;
	s3 =	sadd.s32 $0x2400, s4;
	s6 =	sor.u32 s5, s6  }
0xa: {  	s10 =	sadd.s32 $0x28C400, s4;
	s5 =	ssub.s32 $0x2, s5;
	s8 =	smul.u32 $0x1A000, s6  }
0xb: {  	s7 =	sshll.u32 s6, $0x6;
	s9 =	sshrl.u32 s5, $0x1;
	s6 =	smul.u32 $0x3400, s6  }
0xc: {  	v0 =	vimm.s32 $0x36147250;
	_ =	strace $0x80000047;
	s7 =	sadd.s32 s7, s4;
	s9 =	ssub.s32 s5, s9  }
0xd: {  	v1 =	vunpack.c.l.s4.s8 v0;
	s8 =	sshrl.u32 s8, $0x3;
	s4 =	sadd.s32 $0x27F400, s7;
	s5 =	sadd.s32 s10, s6  }
0xe: {  	v0 =	vlaneseq.u32;
	s9 =	smax.u32 s9, $0x1;
	s8 =	sadd.s32 s10, s8;
	s10 =	simm.s32 $0x200  }
0xf: {  	v0 =	vmul.u32 $0xD, v0;
	v1 =	vunpack.c.0.s8.s32 v1;
	s6 =	sadd.s32 $0xD00, s8;
	s7 =	sadd.s32 $0x1A00, s8;
	s8 =	sadd.s32 $0x2700, s8  }
.LBB2_1:
0x10: {  	[tilespmem:s2], [sflag:$0x4] =	stream.strided.gather [hbm4b:s4+s10], $0x1A00, s11, s10, $0x38;
	[tilespmem:$0x10400] =	vst v63  }
0x11: {  	_ =	swait.ge [sflag:s12], $0x1A00  }
0x12: {  	v2 =	vadd.s32 s2, v0;
	[sflag:s12] =	ssyncset.done $0x0  }
0x13: {  	v3 =	vand.u32 $0x3FF8, v2;
	[sflag:s12] =	ssyncadd.s32 $0xFFFFE600  }
0x14: {  	s24 =	simm.s32 $0xD0;
	s25 =	simm.s32 $0x0;
	v3 =	vor.u32 v1, v3;
	v2 =	vld [tilespmem:s2+$0x0]  }
.LBB2_2:
0x15: {  	p0 =	sne.s32 s24, $0x1930  }
.Ltmp0:
0x16: {  	_ = 	snop;
	(pc) =	sbr.rel @p0 .LBB2_2-.Ltmp0, $4  }
0x17: {  	_ = 	snop  }
0x18: {  	v4 =	vadd.s32 s24, v0;
	s24 =	sadd.s32 $0xD0, s24  }
0x19: {  	s25 =	sadd.s32 $0x10, s25;
	v4 =	vand.u32 $0x3FF8, v4;
	[tilespmem:v3+s13+$0x0] =	vst.idx.msk $0xffff, v2  }
0x1a: {  	v3 =	vor.u32 v1, v4;
	v2 =	vld [tilespmem:s25+$0x0]  }
0x1b: {  	_ =	sdelay $0x3  }
0x1c: {  	s26 =	simm.s32 $0x1;
	s24 =	simm.s32 $0x200;
	[tilespmem:v3+s13+$0x0] =	vst.idx.msk $0xffff, v2  }
0x1d: {  	s25 =	simm.s32 $0xD1;
	v3 =	vadd.s32 s26, v0;
	v2 =	vld [tilespmem:s24+$0x0]  }
.LBB2_4:
0x1e: {  	p0 =	sne.s32 s25, $0x1931  }
.Ltmp1:
0x1f: {  	_ = 	snop;
	(pc) =	sbr.rel @p0 .LBB2_4-.Ltmp1, $3  }
0x20: {  	_ =	sdelay $0x1  }
0x21: {  	s24 =	sadd.s32 $0x10, s24;
	s26 =	smov.u32 s25;
	s25 =	sadd.s32 $0xD0, s25;
	[tilespmem:v3+s13+$0x0] =	vst.idx.msk $0xffff, v2  }
0x22: {  	v3 =	vadd.s32 s26, v0;
	v2 =	vld [tilespmem:s24+$0x0]  }
0x23: {  	_ =	sdelay $0x3  }
0x24: {  	s26 =	simm.s32 $0x2;
	s24 =	simm.s32 $0x400;
	[tilespmem:v3+s13+$0x0] =	vst.idx.msk $0xffff, v2  }
0x25: {  	s25 =	simm.s32 $0xD2;
	v3 =	vadd.s32 s26, v0;
	v2 =	vld [tilespmem:s24+$0x0]  }
.LBB2_6:
0x26: {  	p0 =	sne.s32 s25, $0x1932  }
.Ltmp2:
0x27: {  	_ = 	snop;
	(pc) =	sbr.rel @p0 .LBB2_6-.Ltmp2, $3  }
0x28: {  	_ =	sdelay $0x1  }
0x29: {  	s24 =	sadd.s32 $0x10, s24;
	s26 =	smov.u32 s25;
	s25 =	sadd.s32 $0xD0, s25;
	[tilespmem:v3+s13+$0x0] =	vst.idx.msk $0xffff, v2  }
0x2a: {  	v3 =	vadd.s32 s26, v0;
	v2 =	vld [tilespmem:s24+$0x0]  }
0x2b: {  	_ =	sdelay $0x3  }
0x2c: {  	s26 =	simm.s32 $0x3;
	s24 =	simm.s32 $0x600;
	[tilespmem:v3+s13+$0x0] =	vst.idx.msk $0xffff, v2  }
0x2d: {  	s25 =	simm.s32 $0xD3;
	v3 =	vadd.s32 s26, v0;
	v2 =	vld [tilespmem:s24+$0x0]  }
.LBB2_8:
0x2e: {  	p0 =	sne.s32 s25, $0x1933  }
.Ltmp3:
0x2f: {  	_ = 	snop;
	(pc) =	sbr.rel @p0 .LBB2_8-.Ltmp3, $3  }
0x30: {  	_ =	sdelay $0x1  }
0x31: {  	s24 =	sadd.s32 $0x10, s24;
	s26 =	smov.u32 s25;
	s25 =	sadd.s32 $0xD0, s25;
	[tilespmem:v3+s13+$0x0] =	vst.idx.msk $0xffff, v2  }
0x32: {  	v3 =	vadd.s32 s26, v0;
	v2 =	vld [tilespmem:s24+$0x0]  }
0x33: {  	_ =	sdelay $0x3  }
0x34: {  	s26 =	simm.s32 $0x4;
	s24 =	simm.s32 $0x800;
	[tilespmem:v3+s13+$0x0] =	vst.idx.msk $0xffff, v2  }
0x35: {  	s25 =	simm.s32 $0xD4;
	v3 =	vadd.s32 s26, v0;
	v2 =	vld [tilespmem:s24+$0x0]  }
.LBB2_10:
0x36: {  	p0 =	sne.s32 s25, $0x1934  }
.Ltmp4:
0x37: {  	_ = 	snop;
	(pc) =	sbr.rel @p0 .LBB2_10-.Ltmp4, $3  }
0x38: {  	_ =	sdelay $0x1  }
0x39: {  	s24 =	sadd.s32 $0x10, s24;
	s26 =	smov.u32 s25;
	s25 =	sadd.s32 $0xD0, s25;
	[tilespmem:v3+s13+$0x0] =	vst.idx.msk $0xffff, v2  }
0x3a: {  	v3 =	vadd.s32 s26, v0;
	v2 =	vld [tilespmem:s24+$0x0]  }
0x3b: {  	_ =	sdelay $0x3  }
0x3c: {  	s26 =	simm.s32 $0x5;
	s24 =	simm.s32 $0xA00;
	[tilespmem:v3+s13+$0x0] =	vst.idx.msk $0xffff, v2  }
0x3d: {  	s25 =	simm.s32 $0xD5;
	v3 =	vadd.s32 s26, v0;
	v2 =	vld [tilespmem:s24+$0x0]  }
.LBB2_12:
0x3e: {  	p0 =	sne.s32 s25, $0x1935  }
.Ltmp5:
0x3f: {  	_ = 	snop;
	(pc) =	sbr.rel @p0 .LBB2_12-.Ltmp5, $3  }
0x40: {  	_ =	sdelay $0x1  }
0x41: {  	s24 =	sadd.s32 $0x10, s24;
	s26 =	smov.u32 s25;
	s25 =	sadd.s32 $0xD0, s25;
	[tilespmem:v3+s13+$0x0] =	vst.idx.msk $0xffff, v2  }
0x42: {  	v3 =	vadd.s32 s26, v0;
	v2 =	vld [tilespmem:s24+$0x0]  }
0x43: {  	_ =	sdelay $0x3  }
0x44: {  	s26 =	simm.s32 $0x6;
	s24 =	simm.s32 $0xC00;
	[tilespmem:v3+s13+$0x0] =	vst.idx.msk $0xffff, v2  }
0x45: {  	s25 =	simm.s32 $0xD6;
	v3 =	vadd.s32 s26, v0;
	v2 =	vld [tilespmem:s24+$0x0]  }
.LBB2_14:
0x46: {  	p0 =	sne.s32 s25, $0x1936  }
.Ltmp6:
0x47: {  	_ = 	snop;
	(pc) =	sbr.rel @p0 .LBB2_14-.Ltmp6, $3  }
0x48: {  	_ =	sdelay $0x1  }
0x49: {  	s24 =	sadd.s32 $0x10, s24;
	s26 =	smov.u32 s25;
	s25 =	sadd.s32 $0xD0, s25;
	[tilespmem:v3+s13+$0x0] =	vst.idx.msk $0xffff, v2  }
0x4a: {  	v3 =	vadd.s32 s26, v0;
	v2 =	vld [tilespmem:s24+$0x0]  }
0x4b: {  	_ =	sdelay $0x3  }
0x4c: {  	s26 =	simm.s32 $0x7;
	s24 =	simm.s32 $0xE00;
	[tilespmem:v3+s13+$0x0] =	vst.idx.msk $0xffff, v2  }
0x4d: {  	s25 =	simm.s32 $0xD7;
	v3 =	vadd.s32 s26, v0;
	v2 =	vld [tilespmem:s24+$0x0]  }
.LBB2_16:
0x4e: {  	p0 =	sne.s32 s25, $0x1937  }
.Ltmp7:
0x4f: {  	_ = 	snop;
	(pc) =	sbr.rel @p0 .LBB2_16-.Ltmp7, $3  }
0x50: {  	_ =	sdelay $0x1  }
0x51: {  	s24 =	sadd.s32 $0x10, s24;
	s26 =	smov.u32 s25;
	s25 =	sadd.s32 $0xD0, s25;
	[tilespmem:v3+s13+$0x0] =	vst.idx.msk $0xffff, v2  }
0x52: {  	v3 =	vadd.s32 s26, v0;
	v2 =	vld [tilespmem:s24+$0x0]  }
0x53: {  	_ =	sdelay $0x1  }
0x54: {  	s24 =	simm.s32 $0x8  }
0x55: {  	v4 =	vadd.s32 s24, v0  }
0x56: {  	s24 =	simm.s32 $0x1000;
	[tilespmem:v3+s13+$0x0] =	vst.idx.msk $0xffff, v2;
	v3 =	vand.u32 $0x3FF8, v4  }
0x57: {  	s25 =	simm.s32 $0xD8;
	v2 =	vld [tilespmem:s24+$0x0];
	v3 =	vor.u32 v1, v3  }
.LBB2_18:
0x58: {  	p0 =	sne.s32 s25, $0x1938  }
.Ltmp8:
0x59: {  	_ = 	snop;
	(pc) =	sbr.rel @p0 .LBB2_18-.Ltmp8, $4  }
0x5a: {  	_ = 	snop  }
0x5b: {  	v4 =	vadd.s32 s25, v0;
	s25 =	sadd.s32 $0xD0, s25  }
0x5c: {  	s24 =	sadd.s32 $0x10, s24;
	v4 =	vand.u32 $0x3FF8, v4;
	[tilespmem:v3+s13+$0x0] =	vst.idx.msk $0xffff, v2  }
0x5d: {  	v3 =	vor.u32 v1, v4;
	v2 =	vld [tilespmem:s24+$0x0]  }
0x5e: {  	_ =	sdelay $0x3  }
0x5f: {  	s26 =	simm.s32 $0x9;
	s24 =	simm.s32 $0x1200;
	[tilespmem:v3+s13+$0x0] =	vst.idx.msk $0xffff, v2  }
0x60: {  	s25 =	simm.s32 $0xD9;
	v3 =	vadd.s32 s26, v0;
	v2 =	vld [tilespmem:s24+$0x0]  }
.LBB2_20:
0x61: {  	p0 =	sne.s32 s25, $0x1939  }
.Ltmp9:
0x62: {  	_ = 	snop;
	(pc) =	sbr.rel @p0 .LBB2_20-.Ltmp9, $3  }
0x63: {  	_ =	sdelay $0x1  }
0x64: {  	s24 =	sadd.s32 $0x10, s24;
	s26 =	smov.u32 s25;
	s25 =	sadd.s32 $0xD0, s25;
	[tilespmem:v3+s13+$0x0] =	vst.idx.msk $0xffff, v2  }
0x65: {  	v3 =	vadd.s32 s26, v0;
	v2 =	vld [tilespmem:s24+$0x0]  }
0x66: {  	_ =	sdelay $0x3  }
0x67: {  	s26 =	simm.s32 $0xA;
	s24 =	simm.s32 $0x1400;
	[tilespmem:v3+s13+$0x0] =	vst.idx.msk $0xffff, v2  }
0x68: {  	s25 =	simm.s32 $0xDA;
	v3 =	vadd.s32 s26, v0;
	v2 =	vld [tilespmem:s24+$0x0]  }
.LBB2_22:
0x69: {  	p0 =	sne.s32 s25, $0x193A  }
.Ltmp10:
0x6a: {  	_ = 	snop;
	(pc) =	sbr.rel @p0 .LBB2_22-.Ltmp10, $3  }
0x6b: {  	_ =	sdelay $0x1  }
0x6c: {  	s24 =	sadd.s32 $0x10, s24;
	s26 =	smov.u32 s25;
	s25 =	sadd.s32 $0xD0, s25;
	[tilespmem:v3+s13+$0x0] =	vst.idx.msk $0xffff, v2  }
0x6d: {  	v3 =	vadd.s32 s26, v0;
	v2 =	vld [tilespmem:s24+$0x0]  }
0x6e: {  	_ =	sdelay $0x3  }
0x6f: {  	s26 =	simm.s32 $0xB;
	s24 =	simm.s32 $0x1600;
	[tilespmem:v3+s13+$0x0] =	vst.idx.msk $0xffff, v2  }
0x70: {  	s25 =	simm.s32 $0xDB;
	v3 =	vadd.s32 s26, v0;
	v2 =	vld [tilespmem:s24+$0x0]  }
.LBB2_24:
0x71: {  	p0 =	sne.s32 s25, $0x193B  }
.Ltmp11:
0x72: {  	_ = 	snop;
	(pc) =	sbr.rel @p0 .LBB2_24-.Ltmp11, $3  }
0x73: {  	_ =	sdelay $0x1  }
0x74: {  	s24 =	sadd.s32 $0x10, s24;
	s26 =	smov.u32 s25;
	s25 =	sadd.s32 $0xD0, s25;
	[tilespmem:v3+s13+$0x0] =	vst.idx.msk $0xffff, v2  }
0x75: {  	v3 =	vadd.s32 s26, v0;
	v2 =	vld [tilespmem:s24+$0x0]  }
0x76: {  	_ =	sdelay $0x3  }
0x77: {  	s26 =	simm.s32 $0xC;
	s24 =	simm.s32 $0x1800;
	[tilespmem:v3+s13+$0x0] =	vst.idx.msk $0xffff, v2  }
0x78: {  	s25 =	simm.s32 $0xDC;
	v3 =	vadd.s32 s26, v0;
	v2 =	vld [tilespmem:s24+$0x0]  }
.LBB2_26:
0x79: {  	p0 =	sne.s32 s25, $0x193C  }
.Ltmp12:
0x7a: {  	_ = 	snop;
	(pc) =	sbr.rel @p0 .LBB2_26-.Ltmp12, $3  }
0x7b: {  	_ =	sdelay $0x1  }
0x7c: {  	s24 =	sadd.s32 $0x10, s24;
	s26 =	smov.u32 s25;
	s25 =	sadd.s32 $0xD0, s25;
	[tilespmem:v3+s13+$0x0] =	vst.idx.msk $0xffff, v2  }
0x7d: {  	v3 =	vadd.s32 s26, v0;
	v2 =	vld [tilespmem:s24+$0x0]  }
0x7e: {  	_ =	sdelay $0x3  }
0x7f: {  	[tilespmem:v3+s13+$0x0] =	vst.idx.msk $0xffff, v2  }
0x80: {  	[tilespmem:s15], [sflag:$0x1] =	stream.indirect.gather [hbm4b:s3+s14], $0x10, s13, s14, $0xb8;
	[tilespmem:$0x10400] =	vst v63  }
0x81: {  	_ =	swait.ge [sflag:s16], $0x6800  }
0x82: {  	[sflag:s16] =	ssyncset.done $0x0  }
0x83: {  	[sflag:s16] =	ssyncadd.s32 $0xFFFF9800  }
0x84: {  	[hbm4b:s5+s2] =	stream.linear.scatter [tilespmem:s15], [sflag:$0x2], $0x6800, $0x38;
	[tilespmem:$0x10400] =	vst v63  }
0x85: {  	_ = 	snop  }
0x86: {  	[tilespmem:s18], [sflag:$0x1] =	stream.indirect.gather [hbm4b:s3+s14], $0x10, s17, s14, $0xb8;
	[tilespmem:$0x10400] =	vst v63  }
0x87: {  	_ =	swait.ge [sflag:s16], $0x6800  }
0x88: {  	[sflag:s16] =	ssyncset.done $0x0  }
0x89: {  	[sflag:s16] =	ssyncadd.s32 $0xFFFF9800  }
0x8a: {  	[hbm4b:s6+s2] =	stream.linear.scatter [tilespmem:s18], [sflag:$0x3], $0x6800, $0x38;
	[tilespmem:$0x10400] =	vst v63  }
0x8b: {  	_ =	swait.ge [sflag:s19], $0x6800  }
0x8c: {  	[sflag:s19] =	ssyncset.done $0x0  }
0x8d: {  	[sflag:s19] =	ssyncadd.s32 $0xFFFF9800  }
0x8e: {  	[tilespmem:s15], [sflag:$0x1] =	stream.indirect.gather [hbm4b:s3+s14], $0x10, s20, s14, $0xb8;
	[tilespmem:$0x10400] =	vst v63  }
0x8f: {  	_ =	swait.ge [sflag:s16], $0x6800  }
0x90: {  	[sflag:s16] =	ssyncset.done $0x0  }
0x91: {  	[sflag:s16] =	ssyncadd.s32 $0xFFFF9800  }
0x92: {  	[hbm4b:s7+s2] =	stream.linear.scatter [tilespmem:s15], [sflag:$0x2], $0x6800, $0x38;
	[tilespmem:$0x10400] =	vst v63  }
0x93: {  	_ =	swait.ge [sflag:s21], $0x6800  }
0x94: {  	[sflag:s21] =	ssyncset.done $0x0  }
0x95: {  	[sflag:s21] =	ssyncadd.s32 $0xFFFF9800  }
0x96: {  	[tilespmem:s18], [sflag:$0x1] =	stream.indirect.gather [hbm4b:s3+s14], $0x10, s22, s14, $0xb8;
	[tilespmem:$0x10400] =	vst v63  }
0x97: {  	_ =	swait.ge [sflag:s16], $0x6800  }
0x98: {  	[sflag:s16] =	ssyncset.done $0x0  }
0x99: {  	s23 =	sadd.s32 $0x1, s23;
	[sflag:s16] =	ssyncadd.s32 $0xFFFF9800  }
0x9a: {  	[hbm4b:s8+s2] =	stream.linear.scatter [tilespmem:s18], [sflag:$0x3], $0x6800, $0x38;
	[tilespmem:$0x10400] =	vst v63  }
0x9b: {  	p0 =	sne.s32 s23, s9;
	_ =	swait.ge [sflag:s19], $0x6800  }
.Ltmp13:
0x9c: {  	[sflag:s19] =	ssyncset.done $0x0;
	(pc) =	sbr.rel @p0 .LBB2_1-.Ltmp13, $4  }
0x9d: {  	[sflag:s19] =	ssyncadd.s32 $0xFFFF9800  }
0x9e: {  	_ =	swait.ge [sflag:s21], $0x6800  }
0x9f: {  	[sflag:s21] =	ssyncset.done $0x0  }
0xa0: {  	[sflag:s21] =	ssyncadd.s32 $0xFFFF9800  }
0xa1: {  	_ =	sfence.sel $0x180000  }
0xa2: {  	[bflag:$0x0] =	sbarrier.arrive $0xFFFF  }
0xa3: {  	p0 =	sne.s32 s1, $0x0;
	_ =	strace $0x90000047  }
0xa4: {  	s0 =	sadd.s32 @!p0 $0x100000, s0;
	[bflag:$0x2] =	sbarrier.arrive $0xFFFF  }
0xa5: {  	[sflag:s0] =	ssyncadd.tile.s32 @!p0 $0x1;
	_ =	shalt  }
.Lfunc_end2:
_tile_overlayer_lowered:
.L_overlay_start_2:
0xa6: {  	(tag) =	ssettag $0x2  }
0xa7: {  	s0 =	rddreg [dreg:$0x0];
	s2 =	stileid.u32  }
0xa8: {  	s1 =	rddreg [dreg:$0x1];
	p0 =	sne.s32 s2, $0x0  }
0xa9: {  	s3 =	rddreg [dreg:$0x2];
	[bflag:$0x3] =	sbarrier.arrive $0xFFFF;
	s2 =	simm.s32 @!p0 $0x1C04  }
0xaa: {  	[timem:s3], [sflag:s2] =	dma.local @!p0 [hbm:s0], s1  }
0xab: {  	s0 =	simm.s32 @!p0 $0x4  }
0xac: {  	_ =	swait.ge @!p0 [sflag:s0], s1  }
0xad: {  	s1 =	ssub.s32 @!p0 $0x0, s1;
	[sflag:s0] =	ssyncset.done @!p0 $0x0  }
0xae: {  	[sflag:s0] =	ssyncadd.s32 @!p0 s1  }
0xaf: {  	[bflag:$0x3] =	sbarrier.arrive $0xFFFF  }
0xb0: {  	_ =	shalt  }

</sc_bundles>
